<compile_context>
chip_gen: v7x
topology: tpu7x:2x2x1
jax: 0.10.2.dev20260603
libtpu: 0.0.44.dev20260713+nightly
codegen_flags: <defaults>
</compile_context>

<pallas_src>
import functools

import jax
import jax.numpy as jnp
from jax import lax
from jax.experimental import pallas as pl
from jax.experimental.pallas import tpu as pltpu
from jax.experimental.pallas import tpu_sc as plsc

_LANES = 16
_NUM_CORES = 2
_NUM_SUBCORES = 16
_NUM_WORKERS = _NUM_CORES * _NUM_SUBCORES

_V = 100000
_NQ = 4
_VQ = _V // _NQ
_BG = 128
_SLAB = 200
_NSUPER = 5
_SUPER = _VQ // _NSUPER
_NSUBW = 5
_SUBW = _SUPER // _NSUBW


def _chunk_offsets(n):
    offs = list(range(0, n - _LANES + 1, _LANES))
    if offs[-1] + _LANES < n:
        offs.append(n - _LANES)
    return offs


def _sc_multihot_t(indices):
    B, H = indices.shape
    cap = _BG * H + _LANES
    offs = _chunk_offsets(H)
    nblk = _BG // 8
    mesh = plsc.VectorSubcoreMesh(core_axis_name="c", subcore_axis_name="s")

    @functools.partial(
        pl.kernel,
        out_type=jax.ShapeDtypeStruct((_V, B), jnp.float32),
        mesh=mesh,
        scratch_types=[
            pltpu.VMEM((8, H), jnp.int32),
            pltpu.VMEM((cap,), jnp.int32),
            pltpu.VMEM((cap,), jnp.int32),
            pltpu.VMEM((cap,), jnp.int32),
            pltpu.VMEM((_SLAB, _BG), jnp.float32),
            pltpu.VMEM((_SLAB, _BG), jnp.float32),
            pltpu.SemaphoreType.DMA,
            pltpu.SemaphoreType.DMA,
        ],
        compiler_params=pltpu.CompilerParams(needs_layout_passes=False),
    )
    def body(idx_hbm, out_hbm, stage, qlist, slist, slist2,
             buf0, buf1, sem0, sem1):
        wid = lax.axis_index("s") * _NUM_CORES + lax.axis_index("c")
        jg = wid // _NQ
        q = wid % _NQ
        col0 = pl.multiple_of(jg * _BG, _BG)
        v_base = q * _VQ
        iota = lax.iota(jnp.int32, _LANES)
        sent16 = jnp.full((_LANES,), 32767, jnp.int32)
        one16 = jnp.full((_LANES,), 1.0, jnp.float32)
        zero16 = jnp.zeros((_LANES,), jnp.float32)
        bufs = (buf0, buf1)
        sems = (sem0, sem1)

        def dma(p, s0):
            return pltpu.make_async_copy(
                bufs[p],
                out_hbm.at[pl.ds(pl.multiple_of(v_base + s0, 8), _SLAB),
                           pl.ds(col0, _BG)],
                sems[p])

        def zbody(i, c):
            r = i // (_BG // _LANES)
            o = (i % (_BG // _LANES)) * _LANES
            buf0[r, pl.ds(o, _LANES)] = zero16
            buf1[r, pl.ds(o, _LANES)] = zero16
            return c

        lax.fori_loop(0, _SLAB * (_BG // _LANES), zbody, 0, unroll=False)

        def blk_body(blk, n):
            row0 = pl.multiple_of(col0 + blk * 8, 8)
            pltpu.sync_copy(idx_hbm.at[pl.ds(row0, 8)], stage)

            def p1body(bb, cur):
                shift = (blk * 8 + bb) * 32768 - v_base
                for o in offs:
                    iv = stage[bb, pl.ds(o, _LANES)]
                    m = (iv >= v_base) & (iv < v_base + _VQ)
                    packed = iv + shift
                    plsc.store_compressed(
                        qlist.at[pl.ds(cur, _LANES)], packed, mask=m)
                    cur = cur + jnp.sum(m.astype(jnp.int32))
                return cur

            return lax.fori_loop(0, 8, p1body, n, unroll=False)

        n = lax.fori_loop(0, nblk, blk_body, jnp.int32(0), unroll=False)
        qlist[pl.ds(n, _LANES)] = sent16

        def partition(src, cnt, lo, hi, dst):
            def pb(c, cur):
                packed = src[pl.ds(c * _LANES, _LANES)]
                vl = packed & 32767
                m = (vl >= lo) & (vl < hi)
                plsc.store_compressed(
                    dst.at[pl.ds(cur, _LANES)], packed, mask=m)
                return cur + jnp.sum(m.astype(jnp.int32))

            nch = (cnt + (_LANES - 1)) // _LANES
            nk = lax.fori_loop(0, nch, pb, jnp.int32(0), unroll=False)
            dst[pl.ds(nk, _LANES)] = sent16
            return nk

        def scan_scatter(buf, nk, s0, val):
            def sbody(c, carry):
                packed = slist2[pl.ds(c * _LANES, _LANES)]
                vl = packed & 32767
                bl = lax.shift_right_logical(packed, 15)
                vs = vl - s0
                m = (vs >= 0) & (vs < _SLAB)
                plsc.store_scatter(buf, [vs, bl], val, mask=m)
                return carry

            nch = (nk + (_LANES - 1)) // _LANES
            lax.fori_loop(0, nch, sbody, 0, unroll=False)

        def slab_step(p, nk, s0, first):
            @pl.when(jnp.logical_not(first))
            def _():
                dma(p, s0 - 2 * _SLAB).wait()
                scan_scatter(bufs[p], nk, s0 - 2 * _SLAB, zero16)

            scan_scatter(bufs[p], nk, s0, one16)
            dma(p, s0).start()

        def u_body(u, carry):
            k0 = u * _SUPER
            na = partition(qlist, n, k0, k0 + _SUPER, slist)

            def w_body(w, c2):
                w0 = k0 + w * _SUBW
                nb = partition(slist, na, w0, w0 + _SUBW, slist2)

                def pair_body(t, c):
                    s0a = w0 + 2 * t * _SLAB
                    slab_step(0, nb, s0a, t == 0)
                    slab_step(1, nb, s0a + _SLAB, t == 0)
                    return c

                nsl = _SUBW // _SLAB
                lax.fori_loop(0, nsl // 2, pair_body, 0, unroll=False)
                s0_last = w0 + (nsl - 1) * _SLAB
                slab_step(0, nb, s0_last, jnp.bool_(False))
                dma(1, s0_last - _SLAB).wait()
                scan_scatter(bufs[1], nb, s0_last - _SLAB, zero16)
                dma(0, s0_last).wait()
                scan_scatter(bufs[0], nb, s0_last, zero16)
                return c2

            lax.fori_loop(0, _NSUBW, w_body, 0, unroll=False)
            return carry

        lax.fori_loop(0, _NSUPER, u_body, 0, unroll=False)

    return body(indices)


def kernel(indices, vals):
    del vals
    B = indices.shape[0]
    enc_t = _sc_multihot_t(indices)
    mask = jnp.ones((B, 1), dtype=jnp.int32)
    return enc_t.T[:, None, :], mask

# --- scband reference (transcript-rebuilt; emitter-appended) ---
"""Pipeline reference for scband-method-token-encoder-43147241456182 (READ-ONLY COPY).

The authoritative reference and input builder live on the scoring server;
editing this copy changes nothing except your own understanding.
"""

import jax, jax.numpy as jnp
import numpy as np

VOCAB = 100000
BATCH = 1024
HIST = 200


def setup_inputs(seed: int = 0) -> dict:
    key = jax.random.key(seed)
    k1, k2 = jax.random.split(key)
    # pre-tokenized samples: each row is a list of token ids already mapped via token2idx
    # (unknown tokens already replaced with unk_idx, so all ids are in [0, VOCAB))
    indices = jax.random.randint(k1, (BATCH, HIST), 0, VOCAB)
    # the value scattered for each present token is 1 (multi-hot encoding)
    vals = jnp.ones((BATCH, HIST), dtype=jnp.float32)
    return {"indices": indices, "vals": vals}


def reference(indices, vals):
    # Faithful translation of MethodTokenEncoder.forward:
    #   encoded = zeros((len(samples), emb_dim)); encoded[i, j] = 1 for each token j in sample i
    #   encoded = [[tokens] for tokens in encoded]  -> shape [B, 1, VOCAB]
    #   masks[i, :] = 1                              -> shape [B, 1]
    B, L = indices.shape
    rows = jnp.arange(B)[:, None]
    # scatter-overwrite: multi-hot set of 1s at token positions (duplicates are idempotent)
    encoded = jnp.zeros((B, VOCAB), dtype=jnp.float32).at[rows, indices].set(vals)
    encoded = encoded[:, None, :]  # the [[tokens]] wrap -> [B, 1, VOCAB]
    mask = jnp.ones((B, 1), dtype=jnp.int32)
    lengths = mask.sum(-1)  # computed in original forward (unused in returned dict)
    return encoded, mask

if __name__ == "__main__":
    import jax
    _d = setup_inputs()
    print(jax.jit(kernel)(*tuple(_d.values())))

</pallas_src>

<mosaic_0001>
#map = affine_map<(d0, d1) -> (0, 0)>
module attributes {stable_mosaic.version = 14 : i64} {
  func.func @body(%arg0: i32, %arg1: i32, %arg2: memref<1024x200xi32, #tpu.memory_space<hbm>>, %arg3: memref<100000x1024xf32, #tpu.memory_space<hbm>>, %arg4: memref<8x200xi32, #tpu.memory_space<vmem>>, %arg5: memref<25616xi32, #tpu.memory_space<vmem>>, %arg6: memref<25616xi32, #tpu.memory_space<vmem>>, %arg7: memref<25616xi32, #tpu.memory_space<vmem>>, %arg8: memref<200x128xf32, #tpu.memory_space<vmem>>, %arg9: memref<200x128xf32, #tpu.memory_space<vmem>>, %arg10: memref<!tpu.dma_semaphore, #tpu.memory_space<semaphore_mem>>, %arg11: memref<!tpu.dma_semaphore, #tpu.memory_space<semaphore_mem>>) attributes {dimension_semantics = [#tpu.dimension_semantics<core_parallel>, #tpu.dimension_semantics<subcore_parallel>], iteration_bounds = array<i64: 2, 16>, scalar_prefetch = 0 : i64, scratch_operands = 8 : i64, tpu.core_type = #tpu.core_type<sc_vector_subcore>, window_params = [{transform_indices = #map}, {transform_indices = #map}]} {
    %mul3A = arith.constant 2 : i32
    %mul3A_0 = arith.muli %arg1, %mul3A : i32
    %add3A = arith.addi %mul3A_0, %arg0 : i32
    %jit3A = arith.constant 4 : i32
    %div3A = arith.divsi %add3A, %jit3A : i32
    %sign3A = arith.constant 0 : i32
    %sign3A_1 = arith.cmpi sgt, %add3A, %sign3A : i32
    %sign3A_2 = arith.extui %sign3A_1 : i1 to i32
    %sign3A_3 = arith.constant 0 : i32
    %sign3A_4 = arith.cmpi slt, %add3A, %sign3A_3 : i32
    %sign3A_5 = arith.extui %sign3A_4 : i1 to i32
    %sign3A_6 = arith.subi %sign3A_2, %sign3A_5 : i32
    %sign3A_7 = arith.constant 0 : i32
    %sign3A_8 = arith.cmpi sgt, %jit3A, %sign3A_7 : i32
    %sign3A_9 = arith.extui %sign3A_8 : i1 to i32
    %sign3A_10 = arith.constant 0 : i32
    %sign3A_11 = arith.cmpi slt, %jit3A, %sign3A_10 : i32
    %sign3A_12 = arith.extui %sign3A_11 : i1 to i32
    %sign3A_13 = arith.subi %sign3A_9, %sign3A_12 : i32
    %ne3A = arith.cmpi ne, %sign3A_6, %sign3A_13 : i32
    %rem3A = arith.remsi %add3A, %jit3A : i32
    %ne3A_14 = arith.constant 0 : i32
    %ne3A_15 = arith.cmpi ne, %rem3A, %ne3A_14 : i32
    %and3A = arith.andi %ne3A, %ne3A_15 : i1
    %sub3A = arith.constant 1 : i32
    %sub3A_16 = arith.subi %div3A, %sub3A : i32
    %select_n3A = arith.select %and3A, %sub3A_16, %div3A : i32
    %jit3A_17 = arith.constant 4 : i32
    %eq3A = arith.constant 0 : i32
    %eq3A_18 = arith.cmpi eq, %jit3A_17, %eq3A : i32
    %jit3A_19 = arith.constant 1 : i32
    %select_n3A_20 = arith.select %eq3A_18, %jit3A_19, %jit3A_17 : i32
    %rem3A_21 = arith.remsi %add3A, %select_n3A_20 : i32
    %ne3A_22 = arith.constant 0 : i32
    %ne3A_23 = arith.cmpi ne, %rem3A_21, %ne3A_22 : i32
    %lt3A = arith.constant 0 : i32
    %lt3A_24 = arith.cmpi slt, %rem3A_21, %lt3A : i32
    %lt3A_25 = arith.constant 0 : i32
    %lt3A_26 = arith.cmpi slt, %select_n3A_20, %lt3A_25 : i32
    %ne3A_27 = arith.xori %lt3A_24, %lt3A_26 : i1
    %and3A_28 = arith.andi %ne3A_27, %ne3A_23 : i1
    %add3A_29 = arith.addi %rem3A_21, %select_n3A_20 : i32
    %select_n3A_30 = arith.select %and3A_28, %add3A_29, %rem3A_21 : i32
    %mul3A_31 = arith.constant 128 : i32
    %mul3A_32 = arith.muli %select_n3A, %mul3A_31 : i32
    %multiple_of3A = tpu.assume_multiple %mul3A_32, 128 : i32
    %mul3A_33 = arith.constant 25000 : i32
    %mul3A_34 = arith.muli %select_n3A_30, %mul3A_33 : i32
    %iota3A = tpu.iota {dimensions = array<i32: 0>} : vector<16xi32>
    %broadcast_in_dim3A = arith.constant 32767 : i32
    %broadcast_in_dim3A_35 = vector.broadcast %broadcast_in_dim3A : i32 to vector<16xi32>
    %broadcast_in_dim3A_36 = arith.constant 1.000000e+00 : f32
    %broadcast_in_dim3A_37 = vector.broadcast %broadcast_in_dim3A_36 : f32 to vector<16xf32>
    %broadcast_in_dim3A_38 = arith.constant 0.000000e+00 : f32
    %broadcast_in_dim3A_39 = vector.broadcast %broadcast_in_dim3A_38 : f32 to vector<16xf32>
    %scan3A = arith.constant 0 : i32
    %scan3A_40 = arith.constant 0 : i32
    %scan3A_41 = arith.constant 1600 : i32
    %scan3A_42 = arith.addi %scan3A_40, %scan3A_41 : i32
    %scan3A_43 = arith.constant 1 : i32
    scf.for %scan3A_59 = %scan3A_40 to %scan3A_42 step %scan3A_43  : i32 {
      %jit3A_60 = arith.constant 8 : i32
      %div3A_61 = arith.divsi %scan3A_59, %jit3A_60 : i32
      %sign3A_62 = arith.constant 0 : i32
      %sign3A_63 = arith.cmpi sgt, %scan3A_59, %sign3A_62 : i32
      %sign3A_64 = arith.extui %sign3A_63 : i1 to i32
      %sign3A_65 = arith.constant 0 : i32
      %sign3A_66 = arith.cmpi slt, %scan3A_59, %sign3A_65 : i32
      %sign3A_67 = arith.extui %sign3A_66 : i1 to i32
      %sign3A_68 = arith.subi %sign3A_64, %sign3A_67 : i32
      %sign3A_69 = arith.constant 0 : i32
      %sign3A_70 = arith.cmpi sgt, %jit3A_60, %sign3A_69 : i32
      %sign3A_71 = arith.extui %sign3A_70 : i1 to i32
      %sign3A_72 = arith.constant 0 : i32
      %sign3A_73 = arith.cmpi slt, %jit3A_60, %sign3A_72 : i32
      %sign3A_74 = arith.extui %sign3A_73 : i1 to i32
      %sign3A_75 = arith.subi %sign3A_71, %sign3A_74 : i32
      %ne3A_76 = arith.cmpi ne, %sign3A_68, %sign3A_75 : i32
      %rem3A_77 = arith.remsi %scan3A_59, %jit3A_60 : i32
      %ne3A_78 = arith.constant 0 : i32
      %ne3A_79 = arith.cmpi ne, %rem3A_77, %ne3A_78 : i32
      %and3A_80 = arith.andi %ne3A_76, %ne3A_79 : i1
      %sub3A_81 = arith.constant 1 : i32
      %sub3A_82 = arith.subi %div3A_61, %sub3A_81 : i32
      %select_n3A_83 = arith.select %and3A_80, %sub3A_82, %div3A_61 : i32
      %jit3A_84 = arith.constant 8 : i32
      %eq3A_85 = arith.constant 0 : i32
      %eq3A_86 = arith.cmpi eq, %jit3A_84, %eq3A_85 : i32
      %jit3A_87 = arith.constant 1 : i32
      %select_n3A_88 = arith.select %eq3A_86, %jit3A_87, %jit3A_84 : i32
      %rem3A_89 = arith.remsi %scan3A_59, %select_n3A_88 : i32
      %ne3A_90 = arith.constant 0 : i32
      %ne3A_91 = arith.cmpi ne, %rem3A_89, %ne3A_90 : i32
      %lt3A_92 = arith.constant 0 : i32
      %lt3A_93 = arith.cmpi slt, %rem3A_89, %lt3A_92 : i32
      %lt3A_94 = arith.constant 0 : i32
      %lt3A_95 = arith.cmpi slt, %select_n3A_88, %lt3A_94 : i32
      %ne3A_96 = arith.xori %lt3A_93, %lt3A_95 : i1
      %and3A_97 = arith.andi %ne3A_96, %ne3A_91 : i1
      %add3A_98 = arith.addi %rem3A_89, %select_n3A_88 : i32
      %select_n3A_99 = arith.select %and3A_97, %add3A_98, %rem3A_89 : i32
      %mul3A_100 = arith.constant 16 : i32
      %mul3A_101 = arith.muli %select_n3A_99, %mul3A_100 : i32
      %swap3A_102 = arith.index_cast %select_n3A_83 : i32 to index
      %swap3A_103 = arith.index_cast %mul3A_101 : i32 to index
      %swap3A_104 = tpu.vector_load %arg8[%swap3A_102, %swap3A_103] {strides = array<i32>} : memref<200x128xf32, #tpu.memory_space<vmem>>, vector<16xf32>,
      tpu.vector_store %arg8[%swap3A_102, %swap3A_103], %broadcast_in_dim3A_39 {strides = array<i32>} : memref<200x128xf32, #tpu.memory_space<vmem>>, vector<16xf32>,
      %swap3A_105 = arith.index_cast %select_n3A_83 : i32 to index
      %swap3A_106 = arith.index_cast %mul3A_101 : i32 to index
      %swap3A_107 = tpu.vector_load %arg9[%swap3A_105, %swap3A_106] {strides = array<i32>} : memref<200x128xf32, #tpu.memory_space<vmem>>, vector<16xf32>,
      tpu.vector_store %arg9[%swap3A_105, %swap3A_106], %broadcast_in_dim3A_39 {strides = array<i32>} : memref<200x128xf32, #tpu.memory_space<vmem>>, vector<16xf32>,
    }
    %scan3A_44 = arith.constant 1600 : i32
    %scan3A_45 = arith.constant 0 : i32
    %scan3A_46 = arith.constant 0 : i32
    %scan3A_47 = arith.constant 16 : i32
    %scan3A_48 = arith.addi %scan3A_46, %scan3A_47 : i32
    %scan3A_49 = arith.constant 1 : i32
    %scan3A_50 = scf.for %scan3A_59 = %scan3A_46 to %scan3A_48 step %scan3A_49 iter_args(%scan3A_60 = %scan3A_45) -> (i32)  : i32 {
      %mul3A_61 = arith.constant 8 : i32
      %mul3A_62 = arith.muli %scan3A_59, %mul3A_61 : i32
      %add3A_63 = arith.addi %multiple_of3A, %mul3A_62 : i32
      %multiple_of3A_64 = tpu.assume_multiple %add3A_63, 8 : i32
      "tpu.region"() ({
        %run_scoped3A = tpu.sem_alloc : memref<!tpu.dma_semaphore, #tpu.memory_space<semaphore_mem>>
        %dma_start3A = arith.constant 0 : i32
        %dma_start3A_71 = tpu.memref_slice %arg2[%multiple_of3A_64, %dma_start3A] : memref<1024x200xi32, #tpu.memory_space<hbm>> -> memref<8x200xi32, #tpu.memory_space<hbm>>
        %dma_start3A_72 = arith.constant 0 : i32
        %dma_start3A_73 = tpu.memref_slice %arg2[%multiple_of3A_64, %dma_start3A_72] : memref<1024x200xi32, #tpu.memory_space<hbm>> -> memref<8x200xi32, #tpu.memory_space<hbm>>
        tpu.enqueue_dma source(%dma_start3A_73 : memref<8x200xi32, #tpu.memory_space<hbm>>) target(%arg4 : memref<8x200xi32, #tpu.memory_space<vmem>>) target_semaphore(%run_scoped3A : memref<!tpu.dma_semaphore, #tpu.memory_space<semaphore_mem>>)
        %dma_wait3A = arith.constant 0 : i32
        %dma_wait3A_74 = tpu.memref_slice %arg2[%multiple_of3A_64, %dma_wait3A] : memref<1024x200xi32, #tpu.memory_space<hbm>> -> memref<8x200xi32, #tpu.memory_space<hbm>>
        %dma_wait3A_75 = arith.constant 0 : i32
        %dma_wait3A_76 = tpu.memref_slice %arg2[%multiple_of3A_64, %dma_wait3A_75] : memref<1024x200xi32, #tpu.memory_space<hbm>> -> memref<8x200xi32, #tpu.memory_space<hbm>>
        tpu.wait_dma2 semaphore(%run_scoped3A : memref<!tpu.dma_semaphore, #tpu.memory_space<semaphore_mem>>) src(%dma_wait3A_76 : memref<8x200xi32, #tpu.memory_space<hbm>>) dst(%arg4 : memref<8x200xi32, #tpu.memory_space<vmem>>)
        tpu.yield
      }) : () -> ()
      %scan3A_65 = arith.constant 0 : i32
      %scan3A_66 = arith.constant 8 : i32
      %scan3A_67 = arith.addi %scan3A_65, %scan3A_66 : i32
      %scan3A_68 = arith.constant 1 : i32
      %scan3A_69 = scf.for %scan3A_71 = %scan3A_65 to %scan3A_67 step %scan3A_68 iter_args(%scan3A_72 = %scan3A_60) -> (i32)  : i32 {
        %mul3A_73 = arith.constant 8 : i32
        %mul3A_74 = arith.muli %scan3A_59, %mul3A_73 : i32
        %add3A_75 = arith.addi %mul3A_74, %scan3A_71 : i32
        %mul3A_76 = arith.constant 32768 : i32
        %mul3A_77 = arith.muli %add3A_75, %mul3A_76 : i32
        %sub3A_78 = arith.subi %mul3A_77, %mul3A_34 : i32
        %get3A = arith.index_cast %scan3A_71 : i32 to index
        %get3A_79 = arith.constant 0 : index
        %get3A_80 = tpu.vector_load %arg4[%get3A, %get3A_79] {strides = array<i32>} : memref<8x200xi32, #tpu.memory_space<vmem>>, vector<16xi32>,
        %ge3A = vector.broadcast %mul3A_34 : i32 to vector<16xi32>
        %ge3A_81 = arith.cmpi sge, %get3A_80, %ge3A : vector<16xi32>
        %add3A_82 = arith.constant 25000 : i32
        %add3A_83 = arith.addi %mul3A_34, %add3A_82 : i32
        %lt3A_84 = vector.broadcast %add3A_83 : i32 to vector<16xi32>
        %lt3A_85 = arith.cmpi slt, %get3A_80, %lt3A_84 : vector<16xi32>
        %and3A_86 = arith.andi %ge3A_81, %lt3A_85 : vector<16xi1>
        %add3A_87 = vector.broadcast %sub3A_78 : i32 to vector<16xi32>
        %add3A_88 = arith.addi %get3A_80, %add3A_87 : vector<16xi32>
        %swap3A_89 = arith.index_cast %scan3A_72 : i32 to index
        %swap3A_90 = tpu.vector_load %arg5[%swap3A_89] masked %and3A_86 {strides = array<i32>} : memref<25616xi32, #tpu.memory_space<vmem>>, vector<16xi32>, vector<16xi1>
        tpu.vector_store %arg5[%swap3A_89], %add3A_88 masked %and3A_86 {strides = array<i32>} : memref<25616xi32, #tpu.memory_space<vmem>>, vector<16xi32>, vector<16xi1>
        %convert_element_type3A = arith.extui %and3A_86 : vector<16xi1> to vector<16xi32>
        %reduce_sum3A = arith.constant true
        %reduce_sum3A_91 = vector.broadcast %reduce_sum3A : i1 to vector<16xi1>
        %reduce_sum3A_92 = tpu.scan <sum>, %convert_element_type3A masked %reduce_sum3A_91 : vector<16xi32>, vector<16xi1> -> vector<16xi32>
        %reduce_sum3A_93 = vector.extract %reduce_sum3A_92[15] : i32 from vector<16xi32>
        %add3A_94 = arith.addi %scan3A_72, %reduce_sum3A_93 : i32
        %get3A_95 = arith.index_cast %scan3A_71 : i32 to index
        %get3A_96 = arith.constant 16 : index
        %get3A_97 = tpu.vector_load %arg4[%get3A_95, %get3A_96] {strides = array<i32>} : memref<8x200xi32, #tpu.memory_space<vmem>>, vector<16xi32>,
        %ge3A_98 = vector.broadcast %mul3A_34 : i32 to vector<16xi32>
        %ge3A_99 = arith.cmpi sge, %get3A_97, %ge3A_98 : vector<16xi32>
        %add3A_100 = arith.constant 25000 : i32
        %add3A_101 = arith.addi %mul3A_34, %add3A_100 : i32
        %lt3A_102 = vector.broadcast %add3A_101 : i32 to vector<16xi32>
        %lt3A_103 = arith.cmpi slt, %get3A_97, %lt3A_102 : vector<16xi32>
        %and3A_104 = arith.andi %ge3A_99, %lt3A_103 : vector<16xi1>
        %add3A_105 = vector.broadcast %sub3A_78 : i32 to vector<16xi32>
        %add3A_106 = arith.addi %get3A_97, %add3A_105 : vector<16xi32>
        %swap3A_107 = arith.index_cast %add3A_94 : i32 to index
        %swap3A_108 = tpu.vector_load %arg5[%swap3A_107] masked %and3A_104 {strides = array<i32>} : memref<25616xi32, #tpu.memory_space<vmem>>, vector<16xi32>, vector<16xi1>
        tpu.vector_store %arg5[%swap3A_107], %add3A_106 masked %and3A_104 {strides = array<i32>} : memref<25616xi32, #tpu.memory_space<vmem>>, vector<16xi32>, vector<16xi1>
        %convert_element_type3A_109 = arith.extui %and3A_104 : vector<16xi1> to vector<16xi32>
        %reduce_sum3A_110 = arith.constant true
        %reduce_sum3A_111 = vector.broadcast %reduce_sum3A_110 : i1 to vector<16xi1>
        %reduce_sum3A_112 = tpu.scan <sum>, %convert_element_type3A_109 masked %reduce_sum3A_111 : vector<16xi32>, vector<16xi1> -> vector<16xi32>
        %reduce_sum3A_113 = vector.extract %reduce_sum3A_112[15] : i32 from vector<16xi32>
        %add3A_114 = arith.addi %add3A_94, %reduce_sum3A_113 : i32
        %get3A_115 = arith.index_cast %scan3A_71 : i32 to index
        %get3A_116 = arith.constant 32 : index
        %get3A_117 = tpu.vector_load %arg4[%get3A_115, %get3A_116] {strides = array<i32>} : memref<8x200xi32, #tpu.memory_space<vmem>>, vector<16xi32>,
        %ge3A_118 = vector.broadcast %mul3A_34 : i32 to vector<16xi32>
        %ge3A_119 = arith.cmpi sge, %get3A_117, %ge3A_118 : vector<16xi32>
        %add3A_120 = arith.constant 25000 : i32
        %add3A_121 = arith.addi %mul3A_34, %add3A_120 : i32
        %lt3A_122 = vector.broadcast %add3A_121 : i32 to vector<16xi32>
        %lt3A_123 = arith.cmpi slt, %get3A_117, %lt3A_122 : vector<16xi32>
        %and3A_124 = arith.andi %ge3A_119, %lt3A_123 : vector<16xi1>
        %add3A_125 = vector.broadcast %sub3A_78 : i32 to vector<16xi32>
        %add3A_126 = arith.addi %get3A_117, %add3A_125 : vector<16xi32>
        %swap3A_127 = arith.index_cast %add3A_114 : i32 to index
        %swap3A_128 = tpu.vector_load %arg5[%swap3A_127] masked %and3A_124 {strides = array<i32>} : memref<25616xi32, #tpu.memory_space<vmem>>, vector<16xi32>, vector<16xi1>
        tpu.vector_store %arg5[%swap3A_127], %add3A_126 masked %and3A_124 {strides = array<i32>} : memref<25616xi32, #tpu.memory_space<vmem>>, vector<16xi32>, vector<16xi1>
        %convert_element_type3A_129 = arith.extui %and3A_124 : vector<16xi1> to vector<16xi32>
        %reduce_sum3A_130 = arith.constant true
        %reduce_sum3A_131 = vector.broadcast %reduce_sum3A_130 : i1 to vector<16xi1>
        %reduce_sum3A_132 = tpu.scan <sum>, %convert_element_type3A_129 masked %reduce_sum3A_131 : vector<16xi32>, vector<16xi1> -> vector<16xi32>
        %reduce_sum3A_133 = vector.extract %reduce_sum3A_132[15] : i32 from vector<16xi32>
        %add3A_134 = arith.addi %add3A_114, %reduce_sum3A_133 : i32
        %get3A_135 = arith.index_cast %scan3A_71 : i32 to index
        %get3A_136 = arith.constant 48 : index
        %get3A_137 = tpu.vector_load %arg4[%get3A_135, %get3A_136] {strides = array<i32>} : memref<8x200xi32, #tpu.memory_space<vmem>>, vector<16xi32>,
        %ge3A_138 = vector.broadcast %mul3A_34 : i32 to vector<16xi32>
        %ge3A_139 = arith.cmpi sge, %get3A_137, %ge3A_138 : vector<16xi32>
        %add3A_140 = arith.constant 25000 : i32
        %add3A_141 = arith.addi %mul3A_34, %add3A_140 : i32
        %lt3A_142 = vector.broadcast %add3A_141 : i32 to vector<16xi32>
        %lt3A_143 = arith.cmpi slt, %get3A_137, %lt3A_142 : vector<16xi32>
        %and3A_144 = arith.andi %ge3A_139, %lt3A_143 : vector<16xi1>
        %add3A_145 = vector.broadcast %sub3A_78 : i32 to vector<16xi32>
        %add3A_146 = arith.addi %get3A_137, %add3A_145 : vector<16xi32>
        %swap3A_147 = arith.index_cast %add3A_134 : i32 to index
        %swap3A_148 = tpu.vector_load %arg5[%swap3A_147] masked %and3A_144 {strides = array<i32>} : memref<25616xi32, #tpu.memory_space<vmem>>, vector<16xi32>, vector<16xi1>
        tpu.vector_store %arg5[%swap3A_147], %add3A_146 masked %and3A_144 {strides = array<i32>} : memref<25616xi32, #tpu.memory_space<vmem>>, vector<16xi32>, vector<16xi1>
        %convert_element_type3A_149 = arith.extui %and3A_144 : vector<16xi1> to vector<16xi32>
        %reduce_sum3A_150 = arith.constant true
        %reduce_sum3A_151 = vector.broadcast %reduce_sum3A_150 : i1 to vector<16xi1>
        %reduce_sum3A_152 = tpu.scan <sum>, %convert_element_type3A_149 masked %reduce_sum3A_151 : vector<16xi32>, vector<16xi1> -> vector<16xi32>
        %reduce_sum3A_153 = vector.extract %reduce_sum3A_152[15] : i32 from vector<16xi32>
        %add3A_154 = arith.addi %add3A_134, %reduce_sum3A_153 : i32
        %get3A_155 = arith.index_cast %scan3A_71 : i32 to index
        %get3A_156 = arith.constant 64 : index
        %get3A_157 = tpu.vector_load %arg4[%get3A_155, %get3A_156] {strides = array<i32>} : memref<8x200xi32, #tpu.memory_space<vmem>>, vector<16xi32>,
        %ge3A_158 = vector.broadcast %mul3A_34 : i32 to vector<16xi32>
        %ge3A_159 = arith.cmpi sge, %get3A_157, %ge3A_158 : vector<16xi32>
        %add3A_160 = arith.constant 25000 : i32
        %add3A_161 = arith.addi %mul3A_34, %add3A_160 : i32
        %lt3A_162 = vector.broadcast %add3A_161 : i32 to vector<16xi32>
        %lt3A_163 = arith.cmpi slt, %get3A_157, %lt3A_162 : vector<16xi32>
        %and3A_164 = arith.andi %ge3A_159, %lt3A_163 : vector<16xi1>
        %add3A_165 = vector.broadcast %sub3A_78 : i32 to vector<16xi32>
        %add3A_166 = arith.addi %get3A_157, %add3A_165 : vector<16xi32>
        %swap3A_167 = arith.index_cast %add3A_154 : i32 to index
        %swap3A_168 = tpu.vector_load %arg5[%swap3A_167] masked %and3A_164 {strides = array<i32>} : memref<25616xi32, #tpu.memory_space<vmem>>, vector<16xi32>, vector<16xi1>
        tpu.vector_store %arg5[%swap3A_167], %add3A_166 masked %and3A_164 {strides = array<i32>} : memref<25616xi32, #tpu.memory_space<vmem>>, vector<16xi32>, vector<16xi1>
        %convert_element_type3A_169 = arith.extui %and3A_164 : vector<16xi1> to vector<16xi32>
        %reduce_sum3A_170 = arith.constant true
        %reduce_sum3A_171 = vector.broadcast %reduce_sum3A_170 : i1 to vector<16xi1>
        %reduce_sum3A_172 = tpu.scan <sum>, %convert_element_type3A_169 masked %reduce_sum3A_171 : vector<16xi32>, vector<16xi1> -> vector<16xi32>
        %reduce_sum3A_173 = vector.extract %reduce_sum3A_172[15] : i32 from vector<16xi32>
        %add3A_174 = arith.addi %add3A_154, %reduce_sum3A_173 : i32
        %get3A_175 = arith.index_cast %scan3A_71 : i32 to index
        %get3A_176 = arith.constant 80 : index
        %get3A_177 = tpu.vector_load %arg4[%get3A_175, %get3A_176] {strides = array<i32>} : memref<8x200xi32, #tpu.memory_space<vmem>>, vector<16xi32>,
        %ge3A_178 = vector.broadcast %mul3A_34 : i32 to vector<16xi32>
        %ge3A_179 = arith.cmpi sge, %get3A_177, %ge3A_178 : vector<16xi32>
        %add3A_180 = arith.constant 25000 : i32
        %add3A_181 = arith.addi %mul3A_34, %add3A_180 : i32
        %lt3A_182 = vector.broadcast %add3A_181 : i32 to vector<16xi32>
        %lt3A_183 = arith.cmpi slt, %get3A_177, %lt3A_182 : vector<16xi32>
        %and3A_184 = arith.andi %ge3A_179, %lt3A_183 : vector<16xi1>
        %add3A_185 = vector.broadcast %sub3A_78 : i32 to vector<16xi32>
        %add3A_186 = arith.addi %get3A_177, %add3A_185 : vector<16xi32>
        %swap3A_187 = arith.index_cast %add3A_174 : i32 to index
        %swap3A_188 = tpu.vector_load %arg5[%swap3A_187] masked %and3A_184 {strides = array<i32>} : memref<25616xi32, #tpu.memory_space<vmem>>, vector<16xi32>, vector<16xi1>
        tpu.vector_store %arg5[%swap3A_187], %add3A_186 masked %and3A_184 {strides = array<i32>} : memref<25616xi32, #tpu.memory_space<vmem>>, vector<16xi32>, vector<16xi1>
        %convert_element_type3A_189 = arith.extui %and3A_184 : vector<16xi1> to vector<16xi32>
        %reduce_sum3A_190 = arith.constant true
        %reduce_sum3A_191 = vector.broadcast %reduce_sum3A_190 : i1 to vector<16xi1>
        %reduce_sum3A_192 = tpu.scan <sum>, %convert_element_type3A_189 masked %reduce_sum3A_191 : vector<16xi32>, vector<16xi1> -> vector<16xi32>
        %reduce_sum3A_193 = vector.extract %reduce_sum3A_192[15] : i32 from vector<16xi32>
        %add3A_194 = arith.addi %add3A_174, %reduce_sum3A_193 : i32
        %get3A_195 = arith.index_cast %scan3A_71 : i32 to index
        %get3A_196 = arith.constant 96 : index
        %get3A_197 = tpu.vector_load %arg4[%get3A_195, %get3A_196] {strides = array<i32>} : memref<8x200xi32, #tpu.memory_space<vmem>>, vector<16xi32>,
        %ge3A_198 = vector.broadcast %mul3A_34 : i32 to vector<16xi32>
        %ge3A_199 = arith.cmpi sge, %get3A_197, %ge3A_198 : vector<16xi32>
        %add3A_200 = arith.constant 25000 : i32
        %add3A_201 = arith.addi %mul3A_34, %add3A_200 : i32
        %lt3A_202 = vector.broadcast %add3A_201 : i32 to vector<16xi32>
        %lt3A_203 = arith.cmpi slt, %get3A_197, %lt3A_202 : vector<16xi32>
        %and3A_204 = arith.andi %ge3A_199, %lt3A_203 : vector<16xi1>
        %add3A_205 = vector.broadcast %sub3A_78 : i32 to vector<16xi32>
        %add3A_206 = arith.addi %get3A_197, %add3A_205 : vector<16xi32>
        %swap3A_207 = arith.index_cast %add3A_194 : i32 to index
        %swap3A_208 = tpu.vector_load %arg5[%swap3A_207] masked %and3A_204 {strides = array<i32>} : memref<25616xi32, #tpu.memory_space<vmem>>, vector<16xi32>, vector<16xi1>
        tpu.vector_store %arg5[%swap3A_207], %add3A_206 masked %and3A_204 {strides = array<i32>} : memref<25616xi32, #tpu.memory_space<vmem>>, vector<16xi32>, vector<16xi1>
        %convert_element_type3A_209 = arith.extui %and3A_204 : vector<16xi1> to vector<16xi32>
        %reduce_sum3A_210 = arith.constant true
        %reduce_sum3A_211 = vector.broadcast %reduce_sum3A_210 : i1 to vector<16xi1>
        %reduce_sum3A_212 = tpu.scan <sum>, %convert_element_type3A_209 masked %reduce_sum3A_211 : vector<16xi32>, vector<16xi1> -> vector<16xi32>
        %reduce_sum3A_213 = vector.extract %reduce_sum3A_212[15] : i32 from vector<16xi32>
        %add3A_214 = arith.addi %add3A_194, %reduce_sum3A_213 : i32
        %get3A_215 = arith.index_cast %scan3A_71 : i32 to index
        %get3A_216 = arith.constant 112 : index
        %get3A_217 = tpu.vector_load %arg4[%get3A_215, %get3A_216] {strides = array<i32>} : memref<8x200xi32, #tpu.memory_space<vmem>>, vector<16xi32>,
        %ge3A_218 = vector.broadcast %mul3A_34 : i32 to vector<16xi32>
        %ge3A_219 = arith.cmpi sge, %get3A_217, %ge3A_218 : vector<16xi32>
        %add3A_220 = arith.constant 25000 : i32
        %add3A_221 = arith.addi %mul3A_34, %add3A_220 : i32
        %lt3A_222 = vector.broadcast %add3A_221 : i32 to vector<16xi32>
        %lt3A_223 = arith.cmpi slt, %get3A_217, %lt3A_222 : vector<16xi32>
        %and3A_224 = arith.andi %ge3A_219, %lt3A_223 : vector<16xi1>
        %add3A_225 = vector.broadcast %sub3A_78 : i32 to vector<16xi32>
        %add3A_226 = arith.addi %get3A_217, %add3A_225 : vector<16xi32>
        %swap3A_227 = arith.index_cast %add3A_214 : i32 to index
        %swap3A_228 = tpu.vector_load %arg5[%swap3A_227] masked %and3A_224 {strides = array<i32>} : memref<25616xi32, #tpu.memory_space<vmem>>, vector<16xi32>, vector<16xi1>
        tpu.vector_store %arg5[%swap3A_227], %add3A_226 masked %and3A_224 {strides = array<i32>} : memref<25616xi32, #tpu.memory_space<vmem>>, vector<16xi32>, vector<16xi1>
        %convert_element_type3A_229 = arith.extui %and3A_224 : vector<16xi1> to vector<16xi32>
        %reduce_sum3A_230 = arith.constant true
        %reduce_sum3A_231 = vector.broadcast %reduce_sum3A_230 : i1 to vector<16xi1>
        %reduce_sum3A_232 = tpu.scan <sum>, %convert_element_type3A_229 masked %reduce_sum3A_231 : vector<16xi32>, vector<16xi1> -> vector<16xi32>
        %reduce_sum3A_233 = vector.extract %reduce_sum3A_232[15] : i32 from vector<16xi32>
        %add3A_234 = arith.addi %add3A_214, %reduce_sum3A_233 : i32
        %get3A_235 = arith.index_cast %scan3A_71 : i32 to index
        %get3A_236 = arith.constant 128 : index
        %get3A_237 = tpu.vector_load %arg4[%get3A_235, %get3A_236] {strides = array<i32>} : memref<8x200xi32, #tpu.memory_space<vmem>>, vector<16xi32>,
        %ge3A_238 = vector.broadcast %mul3A_34 : i32 to vector<16xi32>
        %ge3A_239 = arith.cmpi sge, %get3A_237, %ge3A_238 : vector<16xi32>
        %add3A_240 = arith.constant 25000 : i32
        %add3A_241 = arith.addi %mul3A_34, %add3A_240 : i32
        %lt3A_242 = vector.broadcast %add3A_241 : i32 to vector<16xi32>
        %lt3A_243 = arith.cmpi slt, %get3A_237, %lt3A_242 : vector<16xi32>
        %and3A_244 = arith.andi %ge3A_239, %lt3A_243 : vector<16xi1>
        %add3A_245 = vector.broadcast %sub3A_78 : i32 to vector<16xi32>
        %add3A_246 = arith.addi %get3A_237, %add3A_245 : vector<16xi32>
        %swap3A_247 = arith.index_cast %add3A_234 : i32 to index
        %swap3A_248 = tpu.vector_load %arg5[%swap3A_247] masked %and3A_244 {strides = array<i32>} : memref<25616xi32, #tpu.memory_space<vmem>>, vector<16xi32>, vector<16xi1>
        tpu.vector_store %arg5[%swap3A_247], %add3A_246 masked %and3A_244 {strides = array<i32>} : memref<25616xi32, #tpu.memory_space<vmem>>, vector<16xi32>, vector<16xi1>
        %convert_element_type3A_249 = arith.extui %and3A_244 : vector<16xi1> to vector<16xi32>
        %reduce_sum3A_250 = arith.constant true
        %reduce_sum3A_251 = vector.broadcast %reduce_sum3A_250 : i1 to vector<16xi1>
        %reduce_sum3A_252 = tpu.scan <sum>, %convert_element_type3A_249 masked %reduce_sum3A_251 : vector<16xi32>, vector<16xi1> -> vector<16xi32>
        %reduce_sum3A_253 = vector.extract %reduce_sum3A_252[15] : i32 from vector<16xi32>
        %add3A_254 = arith.addi %add3A_234, %reduce_sum3A_253 : i32
        %get3A_255 = arith.index_cast %scan3A_71 : i32 to index
        %get3A_256 = arith.constant 144 : index
        %get3A_257 = tpu.vector_load %arg4[%get3A_255, %get3A_256] {strides = array<i32>} : memref<8x200xi32, #tpu.memory_space<vmem>>, vector<16xi32>,
        %ge3A_258 = vector.broadcast %mul3A_34 : i32 to vector<16xi32>
        %ge3A_259 = arith.cmpi sge, %get3A_257, %ge3A_258 : vector<16xi32>
        %add3A_260 = arith.constant 25000 : i32
        %add3A_261 = arith.addi %mul3A_34, %add3A_260 : i32
        %lt3A_262 = vector.broadcast %add3A_261 : i32 to vector<16xi32>
        %lt3A_263 = arith.cmpi slt, %get3A_257, %lt3A_262 : vector<16xi32>
        %and3A_264 = arith.andi %ge3A_259, %lt3A_263 : vector<16xi1>
        %add3A_265 = vector.broadcast %sub3A_78 : i32 to vector<16xi32>
        %add3A_266 = arith.addi %get3A_257, %add3A_265 : vector<16xi32>
        %swap3A_267 = arith.index_cast %add3A_254 : i32 to index
        %swap3A_268 = tpu.vector_load %arg5[%swap3A_267] masked %and3A_264 {strides = array<i32>} : memref<25616xi32, #tpu.memory_space<vmem>>, vector<16xi32>, vector<16xi1>
        tpu.vector_store %arg5[%swap3A_267], %add3A_266 masked %and3A_264 {strides = array<i32>} : memref<25616xi32, #tpu.memory_space<vmem>>, vector<16xi32>, vector<16xi1>
        %convert_element_type3A_269 = arith.extui %and3A_264 : vector<16xi1> to vector<16xi32>
        %reduce_sum3A_270 = arith.constant true
        %reduce_sum3A_271 = vector.broadcast %reduce_sum3A_270 : i1 to vector<16xi1>
        %reduce_sum3A_272 = tpu.scan <sum>, %convert_element_type3A_269 masked %reduce_sum3A_271 : vector<16xi32>, vector<16xi1> -> vector<16xi32>
        %reduce_sum3A_273 = vector.extract %reduce_sum3A_272[15] : i32 from vector<16xi32>
        %add3A_274 = arith.addi %add3A_254, %reduce_sum3A_273 : i32
        %get3A_275 = arith.index_cast %scan3A_71 : i32 to index
        %get3A_276 = arith.constant 160 : index
        %get3A_277 = tpu.vector_load %arg4[%get3A_275, %get3A_276] {strides = array<i32>} : memref<8x200xi32, #tpu.memory_space<vmem>>, vector<16xi32>,
        %ge3A_278 = vector.broadcast %mul3A_34 : i32 to vector<16xi32>
        %ge3A_279 = arith.cmpi sge, %get3A_277, %ge3A_278 : vector<16xi32>
        %add3A_280 = arith.constant 25000 : i32
        %add3A_281 = arith.addi %mul3A_34, %add3A_280 : i32
        %lt3A_282 = vector.broadcast %add3A_281 : i32 to vector<16xi32>
        %lt3A_283 = arith.cmpi slt, %get3A_277, %lt3A_282 : vector<16xi32>
        %and3A_284 = arith.andi %ge3A_279, %lt3A_283 : vector<16xi1>
        %add3A_285 = vector.broadcast %sub3A_78 : i32 to vector<16xi32>
        %add3A_286 = arith.addi %get3A_277, %add3A_285 : vector<16xi32>
        %swap3A_287 = arith.index_cast %add3A_274 : i32 to index
        %swap3A_288 = tpu.vector_load %arg5[%swap3A_287] masked %and3A_284 {strides = array<i32>} : memref<25616xi32, #tpu.memory_space<vmem>>, vector<16xi32>, vector<16xi1>
        tpu.vector_store %arg5[%swap3A_287], %add3A_286 masked %and3A_284 {strides = array<i32>} : memref<25616xi32, #tpu.memory_space<vmem>>, vector<16xi32>, vector<16xi1>
        %convert_element_type3A_289 = arith.extui %and3A_284 : vector<16xi1> to vector<16xi32>
        %reduce_sum3A_290 = arith.constant true
        %reduce_sum3A_291 = vector.broadcast %reduce_sum3A_290 : i1 to vector<16xi1>
        %reduce_sum3A_292 = tpu.scan <sum>, %convert_element_type3A_289 masked %reduce_sum3A_291 : vector<16xi32>, vector<16xi1> -> vector<16xi32>
        %reduce_sum3A_293 = vector.extract %reduce_sum3A_292[15] : i32 from vector<16xi32>
        %add3A_294 = arith.addi %add3A_274, %reduce_sum3A_293 : i32
        %get3A_295 = arith.index_cast %scan3A_71 : i32 to index
        %get3A_296 = arith.constant 176 : index
        %get3A_297 = tpu.vector_load %arg4[%get3A_295, %get3A_296] {strides = array<i32>} : memref<8x200xi32, #tpu.memory_space<vmem>>, vector<16xi32>,
        %ge3A_298 = vector.broadcast %mul3A_34 : i32 to vector<16xi32>
        %ge3A_299 = arith.cmpi sge, %get3A_297, %ge3A_298 : vector<16xi32>
        %add3A_300 = arith.constant 25000 : i32
        %add3A_301 = arith.addi %mul3A_34, %add3A_300 : i32
        %lt3A_302 = vector.broadcast %add3A_301 : i32 to vector<16xi32>
        %lt3A_303 = arith.cmpi slt, %get3A_297, %lt3A_302 : vector<16xi32>
        %and3A_304 = arith.andi %ge3A_299, %lt3A_303 : vector<16xi1>
        %add3A_305 = vector.broadcast %sub3A_78 : i32 to vector<16xi32>
        %add3A_306 = arith.addi %get3A_297, %add3A_305 : vector<16xi32>
        %swap3A_307 = arith.index_cast %add3A_294 : i32 to index
        %swap3A_308 = tpu.vector_load %arg5[%swap3A_307] masked %and3A_304 {strides = array<i32>} : memref<25616xi32, #tpu.memory_space<vmem>>, vector<16xi32>, vector<16xi1>
        tpu.vector_store %arg5[%swap3A_307], %add3A_306 masked %and3A_304 {strides = array<i32>} : memref<25616xi32, #tpu.memory_space<vmem>>, vector<16xi32>, vector<16xi1>
        %convert_element_type3A_309 = arith.extui %and3A_304 : vector<16xi1> to vector<16xi32>
        %reduce_sum3A_310 = arith.constant true
        %reduce_sum3A_311 = vector.broadcast %reduce_sum3A_310 : i1 to vector<16xi1>
        %reduce_sum3A_312 = tpu.scan <sum>, %convert_element_type3A_309 masked %reduce_sum3A_311 : vector<16xi32>, vector<16xi1> -> vector<16xi32>
        %reduce_sum3A_313 = vector.extract %reduce_sum3A_312[15] : i32 from vector<16xi32>
        %add3A_314 = arith.addi %add3A_294, %reduce_sum3A_313 : i32
        %get3A_315 = arith.index_cast %scan3A_71 : i32 to index
        %get3A_316 = arith.constant 184 : index
        %get3A_317 = tpu.vector_load %arg4[%get3A_315, %get3A_316] {strides = array<i32>} : memref<8x200xi32, #tpu.memory_space<vmem>>, vector<16xi32>,
        %ge3A_318 = vector.broadcast %mul3A_34 : i32 to vector<16xi32>
        %ge3A_319 = arith.cmpi sge, %get3A_317, %ge3A_318 : vector<16xi32>
        %add3A_320 = arith.constant 25000 : i32
        %add3A_321 = arith.addi %mul3A_34, %add3A_320 : i32
        %lt3A_322 = vector.broadcast %add3A_321 : i32 to vector<16xi32>
        %lt3A_323 = arith.cmpi slt, %get3A_317, %lt3A_322 : vector<16xi32>
        %and3A_324 = arith.andi %ge3A_319, %lt3A_323 : vector<16xi1>
        %add3A_325 = vector.broadcast %sub3A_78 : i32 to vector<16xi32>
        %add3A_326 = arith.addi %get3A_317, %add3A_325 : vector<16xi32>
        %swap3A_327 = arith.index_cast %add3A_314 : i32 to index
        %swap3A_328 = tpu.vector_load %arg5[%swap3A_327] masked %and3A_324 {strides = array<i32>} : memref<25616xi32, #tpu.memory_space<vmem>>, vector<16xi32>, vector<16xi1>
        tpu.vector_store %arg5[%swap3A_327], %add3A_326 masked %and3A_324 {strides = array<i32>} : memref<25616xi32, #tpu.memory_space<vmem>>, vector<16xi32>, vector<16xi1>
        %convert_element_type3A_329 = arith.extui %and3A_324 : vector<16xi1> to vector<16xi32>
        %reduce_sum3A_330 = arith.constant true
        %reduce_sum3A_331 = vector.broadcast %reduce_sum3A_330 : i1 to vector<16xi1>
        %reduce_sum3A_332 = tpu.scan <sum>, %convert_element_type3A_329 masked %reduce_sum3A_331 : vector<16xi32>, vector<16xi1> -> vector<16xi32>
        %reduce_sum3A_333 = vector.extract %reduce_sum3A_332[15] : i32 from vector<16xi32>
        %add3A_334 = arith.addi %add3A_314, %reduce_sum3A_333 : i32
        scf.yield %add3A_334 : i32
      }
      %scan3A_70 = arith.constant 8 : i32
      scf.yield %scan3A_69 : i32
    }
    %scan3A_51 = arith.constant 16 : i32
    %swap3A = arith.index_cast %scan3A_50 : i32 to index
    %swap3A_52 = tpu.vector_load %arg5[%swap3A] {strides = array<i32>} : memref<25616xi32, #tpu.memory_space<vmem>>, vector<16xi32>,
    tpu.vector_store %arg5[%swap3A], %broadcast_in_dim3A_35 {strides = array<i32>} : memref<25616xi32, #tpu.memory_space<vmem>>, vector<16xi32>,
    %scan3A_53 = arith.constant 0 : i32
    %scan3A_54 = arith.constant 0 : i32
    %scan3A_55 = arith.constant 5 : i32
    %scan3A_56 = arith.addi %scan3A_54, %scan3A_55 : i32
    %scan3A_57 = arith.constant 1 : i32
    scf.for %scan3A_59 = %scan3A_54 to %scan3A_56 step %scan3A_57  : i32 {
      %mul3A_60 = arith.constant 5000 : i32
      %mul3A_61 = arith.muli %scan3A_59, %mul3A_60 : i32
      %add3A_62 = arith.constant 5000 : i32
      %add3A_63 = arith.addi %mul3A_61, %add3A_62 : i32
      %add3A_64 = arith.constant 15 : i32
      %add3A_65 = arith.addi %scan3A_50, %add3A_64 : i32
      %jit3A_66 = arith.constant 16 : i32
      %div3A_67 = arith.divsi %add3A_65, %jit3A_66 : i32
      %sign3A_68 = arith.constant 0 : i32
      %sign3A_69 = arith.cmpi sgt, %add3A_65, %sign3A_68 : i32
      %sign3A_70 = arith.extui %sign3A_69 : i1 to i32
      %sign3A_71 = arith.constant 0 : i32
      %sign3A_72 = arith.cmpi slt, %add3A_65, %sign3A_71 : i32
      %sign3A_73 = arith.extui %sign3A_72 : i1 to i32
      %sign3A_74 = arith.subi %sign3A_70, %sign3A_73 : i32
      %sign3A_75 = arith.constant 0 : i32
      %sign3A_76 = arith.cmpi sgt, %jit3A_66, %sign3A_75 : i32
      %sign3A_77 = arith.extui %sign3A_76 : i1 to i32
      %sign3A_78 = arith.constant 0 : i32
      %sign3A_79 = arith.cmpi slt, %jit3A_66, %sign3A_78 : i32
      %sign3A_80 = arith.extui %sign3A_79 : i1 to i32
      %sign3A_81 = arith.subi %sign3A_77, %sign3A_80 : i32
      %ne3A_82 = arith.cmpi ne, %sign3A_74, %sign3A_81 : i32
      %rem3A_83 = arith.remsi %add3A_65, %jit3A_66 : i32
      %ne3A_84 = arith.constant 0 : i32
      %ne3A_85 = arith.cmpi ne, %rem3A_83, %ne3A_84 : i32
      %and3A_86 = arith.andi %ne3A_82, %ne3A_85 : i1
      %sub3A_87 = arith.constant 1 : i32
      %sub3A_88 = arith.subi %div3A_67, %sub3A_87 : i32
      %select_n3A_89 = arith.select %and3A_86, %sub3A_88, %div3A_67 : i32
      %while3A = arith.constant 0 : i32
      %while3A_90 = arith.constant 0 : i32
      %while3A_91 = arith.subi %select_n3A_89, %while3A : i32
      %while3A_92 = arith.addi %while3A, %while3A_91 : i32
      %while3A_93 = arith.constant 1 : i32
      %while3A_94 = arith.divsi %while3A_91, %while3A_93 : i32
      %while3A_95 = arith.muli %while3A_94, %while3A_93 : i32
      %while3A_96 = arith.addi %while3A, %while3A_95 : i32
      %while3A_97 = arith.constant 1 : i32
      %while3A_98 = scf.for %while3A_109 = %while3A to %while3A_96 step %while3A_97 iter_args(%while3A_110 = %while3A_90) -> (i32)  : i32 {
        %mul3A_111 = arith.constant 16 : i32
        %mul3A_112 = arith.muli %while3A_109, %mul3A_111 : i32
        %get3A = arith.index_cast %mul3A_112 : i32 to index
        %get3A_113 = tpu.vector_load %arg5[%get3A] {strides = array<i32>} : memref<25616xi32, #tpu.memory_space<vmem>>, vector<16xi32>,
        %and3A_114 = arith.constant 32767 : i32
        %and3A_115 = vector.broadcast %and3A_114 : i32 to vector<16xi32>
        %and3A_116 = arith.andi %get3A_113, %and3A_115 : vector<16xi32>
        %ge3A = vector.broadcast %mul3A_61 : i32 to vector<16xi32>
        %ge3A_117 = arith.cmpi sge, %and3A_116, %ge3A : vector<16xi32>
        %lt3A_118 = vector.broadcast %add3A_63 : i32 to vector<16xi32>
        %lt3A_119 = arith.cmpi slt, %and3A_116, %lt3A_118 : vector<16xi32>
        %and3A_120 = arith.andi %ge3A_117, %lt3A_119 : vector<16xi1>
        %swap3A_121 = arith.index_cast %while3A_110 : i32 to index
        %swap3A_122 = tpu.vector_load %arg6[%swap3A_121] masked %and3A_120 {strides = array<i32>} : memref<25616xi32, #tpu.memory_space<vmem>>, vector<16xi32>, vector<16xi1>
        tpu.vector_store %arg6[%swap3A_121], %get3A_113 masked %and3A_120 {strides = array<i32>} : memref<25616xi32, #tpu.memory_space<vmem>>, vector<16xi32>, vector<16xi1>
        %convert_element_type3A = arith.extui %and3A_120 : vector<16xi1> to vector<16xi32>
        %reduce_sum3A = arith.constant true
        %reduce_sum3A_123 = vector.broadcast %reduce_sum3A : i1 to vector<16xi1>
        %reduce_sum3A_124 = tpu.scan <sum>, %convert_element_type3A masked %reduce_sum3A_123 : vector<16xi32>, vector<16xi1> -> vector<16xi32>
        %reduce_sum3A_125 = vector.extract %reduce_sum3A_124[15] : i32 from vector<16xi32>
        %add3A_126 = arith.addi %while3A_110, %reduce_sum3A_125 : i32
        scf.yield %add3A_126 : i32
      }
      %while3A_99 = arith.constant 1 : i32
      %while3A_100 = scf.for %while3A_109 = %while3A_96 to %while3A_92 step %while3A_99 iter_args(%while3A_110 = %while3A_98) -> (i32)  : i32 {
        %mul3A_111 = arith.constant 16 : i32
        %mul3A_112 = arith.muli %while3A_109, %mul3A_111 : i32
        %get3A = arith.index_cast %mul3A_112 : i32 to index
        %get3A_113 = tpu.vector_load %arg5[%get3A] {strides = array<i32>} : memref<25616xi32, #tpu.memory_space<vmem>>, vector<16xi32>,
        %and3A_114 = arith.constant 32767 : i32
        %and3A_115 = vector.broadcast %and3A_114 : i32 to vector<16xi32>
        %and3A_116 = arith.andi %get3A_113, %and3A_115 : vector<16xi32>
        %ge3A = vector.broadcast %mul3A_61 : i32 to vector<16xi32>
        %ge3A_117 = arith.cmpi sge, %and3A_116, %ge3A : vector<16xi32>
        %lt3A_118 = vector.broadcast %add3A_63 : i32 to vector<16xi32>
        %lt3A_119 = arith.cmpi slt, %and3A_116, %lt3A_118 : vector<16xi32>
        %and3A_120 = arith.andi %ge3A_117, %lt3A_119 : vector<16xi1>
        %swap3A_121 = arith.index_cast %while3A_110 : i32 to index
        %swap3A_122 = tpu.vector_load %arg6[%swap3A_121] masked %and3A_120 {strides = array<i32>} : memref<25616xi32, #tpu.memory_space<vmem>>, vector<16xi32>, vector<16xi1>
        tpu.vector_store %arg6[%swap3A_121], %get3A_113 masked %and3A_120 {strides = array<i32>} : memref<25616xi32, #tpu.memory_space<vmem>>, vector<16xi32>, vector<16xi1>
        %convert_element_type3A = arith.extui %and3A_120 : vector<16xi1> to vector<16xi32>
        %reduce_sum3A = arith.constant true
        %reduce_sum3A_123 = vector.broadcast %reduce_sum3A : i1 to vector<16xi1>
        %reduce_sum3A_124 = tpu.scan <sum>, %convert_element_type3A masked %reduce_sum3A_123 : vector<16xi32>, vector<16xi1> -> vector<16xi32>
        %reduce_sum3A_125 = vector.extract %reduce_sum3A_124[15] : i32 from vector<16xi32>
        %add3A_126 = arith.addi %while3A_110, %reduce_sum3A_125 : i32
        scf.yield %add3A_126 : i32
      }
      %swap3A_101 = arith.index_cast %while3A_100 : i32 to index
      %swap3A_102 = tpu.vector_load %arg6[%swap3A_101] {strides = array<i32>} : memref<25616xi32, #tpu.memory_space<vmem>>, vector<16xi32>,
      tpu.vector_store %arg6[%swap3A_101], %broadcast_in_dim3A_35 {strides = array<i32>} : memref<25616xi32, #tpu.memory_space<vmem>>, vector<16xi32>,
      %scan3A_103 = arith.constant 0 : i32
      %scan3A_104 = arith.constant 0 : i32
      %scan3A_105 = arith.constant 5 : i32
      %scan3A_106 = arith.addi %scan3A_104, %scan3A_105 : i32
      %scan3A_107 = arith.constant 1 : i32
      scf.for %scan3A_109 = %scan3A_104 to %scan3A_106 step %scan3A_107  : i32 {
        %mul3A_110 = arith.constant 1000 : i32
        %mul3A_111 = arith.muli %scan3A_109, %mul3A_110 : i32
        %add3A_112 = arith.addi %mul3A_61, %mul3A_111 : i32
        %add3A_113 = arith.constant 1000 : i32
        %add3A_114 = arith.addi %add3A_112, %add3A_113 : i32
        %add3A_115 = arith.constant 15 : i32
        %add3A_116 = arith.addi %while3A_100, %add3A_115 : i32
        %jit3A_117 = arith.constant 16 : i32
        %div3A_118 = arith.divsi %add3A_116, %jit3A_117 : i32
        %sign3A_119 = arith.constant 0 : i32
        %sign3A_120 = arith.cmpi sgt, %add3A_116, %sign3A_119 : i32
        %sign3A_121 = arith.extui %sign3A_120 : i1 to i32
        %sign3A_122 = arith.constant 0 : i32
        %sign3A_123 = arith.cmpi slt, %add3A_116, %sign3A_122 : i32
        %sign3A_124 = arith.extui %sign3A_123 : i1 to i32
        %sign3A_125 = arith.subi %sign3A_121, %sign3A_124 : i32
        %sign3A_126 = arith.constant 0 : i32
        %sign3A_127 = arith.cmpi sgt, %jit3A_117, %sign3A_126 : i32
        %sign3A_128 = arith.extui %sign3A_127 : i1 to i32
        %sign3A_129 = arith.constant 0 : i32
        %sign3A_130 = arith.cmpi slt, %jit3A_117, %sign3A_129 : i32
        %sign3A_131 = arith.extui %sign3A_130 : i1 to i32
        %sign3A_132 = arith.subi %sign3A_128, %sign3A_131 : i32
        %ne3A_133 = arith.cmpi ne, %sign3A_125, %sign3A_132 : i32
        %rem3A_134 = arith.remsi %add3A_116, %jit3A_117 : i32
        %ne3A_135 = arith.constant 0 : i32
        %ne3A_136 = arith.cmpi ne, %rem3A_134, %ne3A_135 : i32
        %and3A_137 = arith.andi %ne3A_133, %ne3A_136 : i1
        %sub3A_138 = arith.constant 1 : i32
        %sub3A_139 = arith.subi %div3A_118, %sub3A_138 : i32
        %select_n3A_140 = arith.select %and3A_137, %sub3A_139, %div3A_118 : i32
        %while3A_141 = arith.constant 0 : i32
        %while3A_142 = arith.constant 0 : i32
        %while3A_143 = arith.subi %select_n3A_140, %while3A_141 : i32
        %while3A_144 = arith.addi %while3A_141, %while3A_143 : i32
        %while3A_145 = arith.constant 1 : i32
        %while3A_146 = arith.divsi %while3A_143, %while3A_145 : i32
        %while3A_147 = arith.muli %while3A_146, %while3A_145 : i32
        %while3A_148 = arith.addi %while3A_141, %while3A_147 : i32
        %while3A_149 = arith.constant 1 : i32
        %while3A_150 = scf.for %while3A_288 = %while3A_141 to %while3A_148 step %while3A_149 iter_args(%while3A_289 = %while3A_142) -> (i32)  : i32 {
          %mul3A_290 = arith.constant 16 : i32
          %mul3A_291 = arith.muli %while3A_288, %mul3A_290 : i32
          %get3A = arith.index_cast %mul3A_291 : i32 to index
          %get3A_292 = tpu.vector_load %arg6[%get3A] {strides = array<i32>} : memref<25616xi32, #tpu.memory_space<vmem>>, vector<16xi32>,
          %and3A_293 = arith.constant 32767 : i32
          %and3A_294 = vector.broadcast %and3A_293 : i32 to vector<16xi32>
          %and3A_295 = arith.andi %get3A_292, %and3A_294 : vector<16xi32>
          %ge3A = vector.broadcast %add3A_112 : i32 to vector<16xi32>
          %ge3A_296 = arith.cmpi sge, %and3A_295, %ge3A : vector<16xi32>
          %lt3A_297 = vector.broadcast %add3A_114 : i32 to vector<16xi32>
          %lt3A_298 = arith.cmpi slt, %and3A_295, %lt3A_297 : vector<16xi32>
          %and3A_299 = arith.andi %ge3A_296, %lt3A_298 : vector<16xi1>
          %swap3A_300 = arith.index_cast %while3A_289 : i32 to index
          %swap3A_301 = tpu.vector_load %arg7[%swap3A_300] masked %and3A_299 {strides = array<i32>} : memref<25616xi32, #tpu.memory_space<vmem>>, vector<16xi32>, vector<16xi1>
          tpu.vector_store %arg7[%swap3A_300], %get3A_292 masked %and3A_299 {strides = array<i32>} : memref<25616xi32, #tpu.memory_space<vmem>>, vector<16xi32>, vector<16xi1>
          %convert_element_type3A_302 = arith.extui %and3A_299 : vector<16xi1> to vector<16xi32>
          %reduce_sum3A = arith.constant true
          %reduce_sum3A_303 = vector.broadcast %reduce_sum3A : i1 to vector<16xi1>
          %reduce_sum3A_304 = tpu.scan <sum>, %convert_element_type3A_302 masked %reduce_sum3A_303 : vector<16xi32>, vector<16xi1> -> vector<16xi32>
          %reduce_sum3A_305 = vector.extract %reduce_sum3A_304[15] : i32 from vector<16xi32>
          %add3A_306 = arith.addi %while3A_289, %reduce_sum3A_305 : i32
          scf.yield %add3A_306 : i32
        }
        %while3A_151 = arith.constant 1 : i32
        %while3A_152 = scf.for %while3A_288 = %while3A_148 to %while3A_144 step %while3A_151 iter_args(%while3A_289 = %while3A_150) -> (i32)  : i32 {
          %mul3A_290 = arith.constant 16 : i32
          %mul3A_291 = arith.muli %while3A_288, %mul3A_290 : i32
          %get3A = arith.index_cast %mul3A_291 : i32 to index
          %get3A_292 = tpu.vector_load %arg6[%get3A] {strides = array<i32>} : memref<25616xi32, #tpu.memory_space<vmem>>, vector<16xi32>,
          %and3A_293 = arith.constant 32767 : i32
          %and3A_294 = vector.broadcast %and3A_293 : i32 to vector<16xi32>
          %and3A_295 = arith.andi %get3A_292, %and3A_294 : vector<16xi32>
          %ge3A = vector.broadcast %add3A_112 : i32 to vector<16xi32>
          %ge3A_296 = arith.cmpi sge, %and3A_295, %ge3A : vector<16xi32>
          %lt3A_297 = vector.broadcast %add3A_114 : i32 to vector<16xi32>
          %lt3A_298 = arith.cmpi slt, %and3A_295, %lt3A_297 : vector<16xi32>
          %and3A_299 = arith.andi %ge3A_296, %lt3A_298 : vector<16xi1>
          %swap3A_300 = arith.index_cast %while3A_289 : i32 to index
          %swap3A_301 = tpu.vector_load %arg7[%swap3A_300] masked %and3A_299 {strides = array<i32>} : memref<25616xi32, #tpu.memory_space<vmem>>, vector<16xi32>, vector<16xi1>
          tpu.vector_store %arg7[%swap3A_300], %get3A_292 masked %and3A_299 {strides = array<i32>} : memref<25616xi32, #tpu.memory_space<vmem>>, vector<16xi32>, vector<16xi1>
          %convert_element_type3A_302 = arith.extui %and3A_299 : vector<16xi1> to vector<16xi32>
          %reduce_sum3A = arith.constant true
          %reduce_sum3A_303 = vector.broadcast %reduce_sum3A : i1 to vector<16xi1>
          %reduce_sum3A_304 = tpu.scan <sum>, %convert_element_type3A_302 masked %reduce_sum3A_303 : vector<16xi32>, vector<16xi1> -> vector<16xi32>
          %reduce_sum3A_305 = vector.extract %reduce_sum3A_304[15] : i32 from vector<16xi32>
          %add3A_306 = arith.addi %while3A_289, %reduce_sum3A_305 : i32
          scf.yield %add3A_306 : i32
        }
        %swap3A_153 = arith.index_cast %while3A_152 : i32 to index
        %swap3A_154 = tpu.vector_load %arg7[%swap3A_153] {strides = array<i32>} : memref<25616xi32, #tpu.memory_space<vmem>>, vector<16xi32>,
        tpu.vector_store %arg7[%swap3A_153], %broadcast_in_dim3A_35 {strides = array<i32>} : memref<25616xi32, #tpu.memory_space<vmem>>, vector<16xi32>,
        %scan3A_155 = arith.constant 0 : i32
        %scan3A_156 = arith.constant 0 : i32
        %scan3A_157 = arith.constant 2 : i32
        %scan3A_158 = arith.addi %scan3A_156, %scan3A_157 : i32
        %scan3A_159 = arith.constant 1 : i32
        scf.for %scan3A_288 = %scan3A_156 to %scan3A_158 step %scan3A_159  : i32 {
          %mul3A_289 = arith.constant 2 : i32
          %mul3A_290 = arith.muli %mul3A_289, %scan3A_288 : i32
          %mul3A_291 = arith.constant 200 : i32
          %mul3A_292 = arith.muli %mul3A_290, %mul3A_291 : i32
          %add3A_293 = arith.addi %add3A_112, %mul3A_292 : i32
          %eq3A_294 = arith.constant 0 : i32
          %eq3A_295 = arith.cmpi eq, %scan3A_288, %eq3A_294 : i32
          %not3A_296 = arith.constant true
          %not3A_297 = arith.xori %eq3A_295, %not3A_296 : i1
          %convert_element_type3A_298 = arith.extui %not3A_297 : i1 to i32
          %cond3A_299 = arith.constant 0 : i32
          %cond3A_300 = arith.cmpi ne, %convert_element_type3A_298, %cond3A_299 : i32
          scf.if %cond3A_300 {
            %sub3A_390 = arith.constant 400 : i32
            %sub3A_391 = arith.subi %add3A_293, %sub3A_390 : i32
            %add3A_392 = arith.addi %mul3A_34, %sub3A_391 : i32
            %multiple_of3A_393 = tpu.assume_multiple %add3A_392, 8 : i32
            %dma_wait3A_394 = tpu.memref_slice %arg3[%multiple_of3A_393, %multiple_of3A] : memref<100000x1024xf32, #tpu.memory_space<hbm>> -> memref<200x128xf32, #tpu.memory_space<hbm>>
            %dma_wait3A_395 = tpu.memref_slice %arg3[%multiple_of3A_393, %multiple_of3A] : memref<100000x1024xf32, #tpu.memory_space<hbm>> -> memref<200x128xf32, #tpu.memory_space<hbm>>
            tpu.wait_dma2 semaphore(%arg10 : memref<!tpu.dma_semaphore, #tpu.memory_space<semaphore_mem>>) src(%arg8 : memref<200x128xf32, #tpu.memory_space<vmem>>) dst(%dma_wait3A_395 : memref<200x128xf32, #tpu.memory_space<hbm>>)
            %sub3A_396 = arith.constant 400 : i32
            %sub3A_397 = arith.subi %add3A_293, %sub3A_396 : i32
            %add3A_398 = arith.constant 15 : i32
            %add3A_399 = arith.addi %while3A_152, %add3A_398 : i32
            %jit3A_400 = arith.constant 16 : i32
            %div3A_401 = arith.divsi %add3A_399, %jit3A_400 : i32
            %sign3A_402 = arith.constant 0 : i32
            %sign3A_403 = arith.cmpi sgt, %add3A_399, %sign3A_402 : i32
            %sign3A_404 = arith.extui %sign3A_403 : i1 to i32
            %sign3A_405 = arith.constant 0 : i32
            %sign3A_406 = arith.cmpi slt, %add3A_399, %sign3A_405 : i32
            %sign3A_407 = arith.extui %sign3A_406 : i1 to i32
            %sign3A_408 = arith.subi %sign3A_404, %sign3A_407 : i32
            %sign3A_409 = arith.constant 0 : i32
            %sign3A_410 = arith.cmpi sgt, %jit3A_400, %sign3A_409 : i32
            %sign3A_411 = arith.extui %sign3A_410 : i1 to i32
            %sign3A_412 = arith.constant 0 : i32
            %sign3A_413 = arith.cmpi slt, %jit3A_400, %sign3A_412 : i32
            %sign3A_414 = arith.extui %sign3A_413 : i1 to i32
            %sign3A_415 = arith.subi %sign3A_411, %sign3A_414 : i32
            %ne3A_416 = arith.cmpi ne, %sign3A_408, %sign3A_415 : i32
            %rem3A_417 = arith.remsi %add3A_399, %jit3A_400 : i32
            %ne3A_418 = arith.constant 0 : i32
            %ne3A_419 = arith.cmpi ne, %rem3A_417, %ne3A_418 : i32
            %and3A_420 = arith.andi %ne3A_416, %ne3A_419 : i1
            %sub3A_421 = arith.constant 1 : i32
            %sub3A_422 = arith.subi %div3A_401, %sub3A_421 : i32
            %select_n3A_423 = arith.select %and3A_420, %sub3A_422, %div3A_401 : i32
            %while3A_424 = arith.constant 0 : i32
            %while3A_425 = arith.constant 0 : i32
            %while3A_426 = arith.subi %select_n3A_423, %while3A_425 : i32
            %while3A_427 = arith.addi %while3A_425, %while3A_426 : i32
            %while3A_428 = arith.constant 1 : i32
            %while3A_429 = arith.divsi %while3A_426, %while3A_428 : i32
            %while3A_430 = arith.muli %while3A_429, %while3A_428 : i32
            %while3A_431 = arith.addi %while3A_425, %while3A_430 : i32
            %while3A_432 = arith.constant 1 : i32
            scf.for %while3A_434 = %while3A_425 to %while3A_431 step %while3A_432  : i32 {
              %mul3A_435 = arith.constant 16 : i32
              %mul3A_436 = arith.muli %while3A_434, %mul3A_435 : i32
              %get3A = arith.index_cast %mul3A_436 : i32 to index
              %get3A_437 = tpu.vector_load %arg7[%get3A] {strides = array<i32>} : memref<25616xi32, #tpu.memory_space<vmem>>, vector<16xi32>,
              %and3A_438 = arith.constant 32767 : i32
              %and3A_439 = vector.broadcast %and3A_438 : i32 to vector<16xi32>
              %and3A_440 = arith.andi %get3A_437, %and3A_439 : vector<16xi32>
              %shift_right_logical3A = arith.constant 15 : i32
              %shift_right_logical3A_441 = vector.broadcast %shift_right_logical3A : i32 to vector<16xi32>
              %shift_right_logical3A_442 = arith.shrui %get3A_437, %shift_right_logical3A_441 : vector<16xi32>
              %sub3A_443 = vector.broadcast %sub3A_397 : i32 to vector<16xi32>
              %sub3A_444 = arith.subi %and3A_440, %sub3A_443 : vector<16xi32>
              %ge3A = arith.constant 0 : i32
              %ge3A_445 = vector.broadcast %ge3A : i32 to vector<16xi32>
              %ge3A_446 = arith.cmpi sge, %sub3A_444, %ge3A_445 : vector<16xi32>
              %lt3A_447 = arith.constant 200 : i32
              %lt3A_448 = vector.broadcast %lt3A_447 : i32 to vector<16xi32>
              %lt3A_449 = arith.cmpi slt, %sub3A_444, %lt3A_448 : vector<16xi32>
              %and3A_450 = arith.andi %ge3A_446, %lt3A_449 : vector<16xi1>
              tpu.vector_store_idx %arg8[%sub3A_444, %shift_right_logical3A_442], %broadcast_in_dim3A_39 masked %and3A_450 : memref<200x128xf32, #tpu.memory_space<vmem>>[vector<16xi32>, vector<16xi32>], vector<16xf32>, vector<16xi1>
            }
            %while3A_433 = arith.constant 1 : i32
            scf.for %while3A_434 = %while3A_431 to %while3A_427 step %while3A_433  : i32 {
              %mul3A_435 = arith.constant 16 : i32
              %mul3A_436 = arith.muli %while3A_434, %mul3A_435 : i32
              %get3A = arith.index_cast %mul3A_436 : i32 to index
              %get3A_437 = tpu.vector_load %arg7[%get3A] {strides = array<i32>} : memref<25616xi32, #tpu.memory_space<vmem>>, vector<16xi32>,
              %and3A_438 = arith.constant 32767 : i32
              %and3A_439 = vector.broadcast %and3A_438 : i32 to vector<16xi32>
              %and3A_440 = arith.andi %get3A_437, %and3A_439 : vector<16xi32>
              %shift_right_logical3A = arith.constant 15 : i32
              %shift_right_logical3A_441 = vector.broadcast %shift_right_logical3A : i32 to vector<16xi32>
              %shift_right_logical3A_442 = arith.shrui %get3A_437, %shift_right_logical3A_441 : vector<16xi32>
              %sub3A_443 = vector.broadcast %sub3A_397 : i32 to vector<16xi32>
              %sub3A_444 = arith.subi %and3A_440, %sub3A_443 : vector<16xi32>
              %ge3A = arith.constant 0 : i32
              %ge3A_445 = vector.broadcast %ge3A : i32 to vector<16xi32>
              %ge3A_446 = arith.cmpi sge, %sub3A_444, %ge3A_445 : vector<16xi32>
              %lt3A_447 = arith.constant 200 : i32
              %lt3A_448 = vector.broadcast %lt3A_447 : i32 to vector<16xi32>
              %lt3A_449 = arith.cmpi slt, %sub3A_444, %lt3A_448 : vector<16xi32>
              %and3A_450 = arith.andi %ge3A_446, %lt3A_449 : vector<16xi1>
              tpu.vector_store_idx %arg8[%sub3A_444, %shift_right_logical3A_442], %broadcast_in_dim3A_39 masked %and3A_450 : memref<200x128xf32, #tpu.memory_space<vmem>>[vector<16xi32>, vector<16xi32>], vector<16xf32>, vector<16xi1>
            }
          } else {
          }
          %add3A_301 = arith.constant 15 : i32
          %add3A_302 = arith.addi %while3A_152, %add3A_301 : i32
          %jit3A_303 = arith.constant 16 : i32
          %div3A_304 = arith.divsi %add3A_302, %jit3A_303 : i32
          %sign3A_305 = arith.constant 0 : i32
          %sign3A_306 = arith.cmpi sgt, %add3A_302, %sign3A_305 : i32
          %sign3A_307 = arith.extui %sign3A_306 : i1 to i32
          %sign3A_308 = arith.constant 0 : i32
          %sign3A_309 = arith.cmpi slt, %add3A_302, %sign3A_308 : i32
          %sign3A_310 = arith.extui %sign3A_309 : i1 to i32
          %sign3A_311 = arith.subi %sign3A_307, %sign3A_310 : i32
          %sign3A_312 = arith.constant 0 : i32
          %sign3A_313 = arith.cmpi sgt, %jit3A_303, %sign3A_312 : i32
          %sign3A_314 = arith.extui %sign3A_313 : i1 to i32
          %sign3A_315 = arith.constant 0 : i32
          %sign3A_316 = arith.cmpi slt, %jit3A_303, %sign3A_315 : i32
          %sign3A_317 = arith.extui %sign3A_316 : i1 to i32
          %sign3A_318 = arith.subi %sign3A_314, %sign3A_317 : i32
          %ne3A_319 = arith.cmpi ne, %sign3A_311, %sign3A_318 : i32
          %rem3A_320 = arith.remsi %add3A_302, %jit3A_303 : i32
          %ne3A_321 = arith.constant 0 : i32
          %ne3A_322 = arith.cmpi ne, %rem3A_320, %ne3A_321 : i32
          %and3A_323 = arith.andi %ne3A_319, %ne3A_322 : i1
          %sub3A_324 = arith.constant 1 : i32
          %sub3A_325 = arith.subi %div3A_304, %sub3A_324 : i32
          %select_n3A_326 = arith.select %and3A_323, %sub3A_325, %div3A_304 : i32
          %while3A_327 = arith.constant 0 : i32
          %while3A_328 = arith.constant 0 : i32
          %while3A_329 = arith.subi %select_n3A_326, %while3A_328 : i32
          %while3A_330 = arith.addi %while3A_328, %while3A_329 : i32
          %while3A_331 = arith.constant 1 : i32
          %while3A_332 = arith.divsi %while3A_329, %while3A_331 : i32
          %while3A_333 = arith.muli %while3A_332, %while3A_331 : i32
          %while3A_334 = arith.addi %while3A_328, %while3A_333 : i32
          %while3A_335 = arith.constant 1 : i32
          scf.for %while3A_390 = %while3A_328 to %while3A_334 step %while3A_335  : i32 {
            %mul3A_391 = arith.constant 16 : i32
            %mul3A_392 = arith.muli %while3A_390, %mul3A_391 : i32
            %get3A = arith.index_cast %mul3A_392 : i32 to index
            %get3A_393 = tpu.vector_load %arg7[%get3A] {strides = array<i32>} : memref<25616xi32, #tpu.memory_space<vmem>>, vector<16xi32>,
            %and3A_394 = arith.constant 32767 : i32
            %and3A_395 = vector.broadcast %and3A_394 : i32 to vector<16xi32>
            %and3A_396 = arith.andi %get3A_393, %and3A_395 : vector<16xi32>
            %shift_right_logical3A = arith.constant 15 : i32
            %shift_right_logical3A_397 = vector.broadcast %shift_right_logical3A : i32 to vector<16xi32>
            %shift_right_logical3A_398 = arith.shrui %get3A_393, %shift_right_logical3A_397 : vector<16xi32>
            %sub3A_399 = vector.broadcast %add3A_293 : i32 to vector<16xi32>
            %sub3A_400 = arith.subi %and3A_396, %sub3A_399 : vector<16xi32>
            %ge3A = arith.constant 0 : i32
            %ge3A_401 = vector.broadcast %ge3A : i32 to vector<16xi32>
            %ge3A_402 = arith.cmpi sge, %sub3A_400, %ge3A_401 : vector<16xi32>
            %lt3A_403 = arith.constant 200 : i32
            %lt3A_404 = vector.broadcast %lt3A_403 : i32 to vector<16xi32>
            %lt3A_405 = arith.cmpi slt, %sub3A_400, %lt3A_404 : vector<16xi32>
            %and3A_406 = arith.andi %ge3A_402, %lt3A_405 : vector<16xi1>
            tpu.vector_store_idx %arg8[%sub3A_400, %shift_right_logical3A_398], %broadcast_in_dim3A_37 masked %and3A_406 : memref<200x128xf32, #tpu.memory_space<vmem>>[vector<16xi32>, vector<16xi32>], vector<16xf32>, vector<16xi1>
          }
          %while3A_336 = arith.constant 1 : i32
          scf.for %while3A_390 = %while3A_334 to %while3A_330 step %while3A_336  : i32 {
            %mul3A_391 = arith.constant 16 : i32
            %mul3A_392 = arith.muli %while3A_390, %mul3A_391 : i32
            %get3A = arith.index_cast %mul3A_392 : i32 to index
            %get3A_393 = tpu.vector_load %arg7[%get3A] {strides = array<i32>} : memref<25616xi32, #tpu.memory_space<vmem>>, vector<16xi32>,
            %and3A_394 = arith.constant 32767 : i32
            %and3A_395 = vector.broadcast %and3A_394 : i32 to vector<16xi32>
            %and3A_396 = arith.andi %get3A_393, %and3A_395 : vector<16xi32>
            %shift_right_logical3A = arith.constant 15 : i32
            %shift_right_logical3A_397 = vector.broadcast %shift_right_logical3A : i32 to vector<16xi32>
            %shift_right_logical3A_398 = arith.shrui %get3A_393, %shift_right_logical3A_397 : vector<16xi32>
            %sub3A_399 = vector.broadcast %add3A_293 : i32 to vector<16xi32>
            %sub3A_400 = arith.subi %and3A_396, %sub3A_399 : vector<16xi32>
            %ge3A = arith.constant 0 : i32
            %ge3A_401 = vector.broadcast %ge3A : i32 to vector<16xi32>
            %ge3A_402 = arith.cmpi sge, %sub3A_400, %ge3A_401 : vector<16xi32>
            %lt3A_403 = arith.constant 200 : i32
            %lt3A_404 = vector.broadcast %lt3A_403 : i32 to vector<16xi32>
            %lt3A_405 = arith.cmpi slt, %sub3A_400, %lt3A_404 : vector<16xi32>
            %and3A_406 = arith.andi %ge3A_402, %lt3A_405 : vector<16xi1>
            tpu.vector_store_idx %arg8[%sub3A_400, %shift_right_logical3A_398], %broadcast_in_dim3A_37 masked %and3A_406 : memref<200x128xf32, #tpu.memory_space<vmem>>[vector<16xi32>, vector<16xi32>], vector<16xf32>, vector<16xi1>
          }
          %add3A_337 = arith.addi %mul3A_34, %add3A_293 : i32
          %multiple_of3A_338 = tpu.assume_multiple %add3A_337, 8 : i32
          %dma_start3A_339 = tpu.memref_slice %arg3[%multiple_of3A_338, %multiple_of3A] : memref<100000x1024xf32, #tpu.memory_space<hbm>> -> memref<200x128xf32, #tpu.memory_space<hbm>>
          %dma_start3A_340 = tpu.memref_slice %arg3[%multiple_of3A_338, %multiple_of3A] : memref<100000x1024xf32, #tpu.memory_space<hbm>> -> memref<200x128xf32, #tpu.memory_space<hbm>>
          tpu.enqueue_dma source(%arg8 : memref<200x128xf32, #tpu.memory_space<vmem>>) target(%dma_start3A_340 : memref<200x128xf32, #tpu.memory_space<hbm>>) target_semaphore(%arg10 : memref<!tpu.dma_semaphore, #tpu.memory_space<semaphore_mem>>)
          %add3A_341 = arith.constant 200 : i32
          %add3A_342 = arith.addi %add3A_293, %add3A_341 : i32
          %eq3A_343 = arith.constant 0 : i32
          %eq3A_344 = arith.cmpi eq, %scan3A_288, %eq3A_343 : i32
          %not3A_345 = arith.constant true
          %not3A_346 = arith.xori %eq3A_344, %not3A_345 : i1
          %convert_element_type3A_347 = arith.extui %not3A_346 : i1 to i32
          %cond3A_348 = arith.constant 0 : i32
          %cond3A_349 = arith.cmpi ne, %convert_element_type3A_347, %cond3A_348 : i32
          scf.if %cond3A_349 {
            %sub3A_390 = arith.constant 400 : i32
            %sub3A_391 = arith.subi %add3A_342, %sub3A_390 : i32
            %add3A_392 = arith.addi %mul3A_34, %sub3A_391 : i32
            %multiple_of3A_393 = tpu.assume_multiple %add3A_392, 8 : i32
            %dma_wait3A_394 = tpu.memref_slice %arg3[%multiple_of3A_393, %multiple_of3A] : memref<100000x1024xf32, #tpu.memory_space<hbm>> -> memref<200x128xf32, #tpu.memory_space<hbm>>
            %dma_wait3A_395 = tpu.memref_slice %arg3[%multiple_of3A_393, %multiple_of3A] : memref<100000x1024xf32, #tpu.memory_space<hbm>> -> memref<200x128xf32, #tpu.memory_space<hbm>>
            tpu.wait_dma2 semaphore(%arg11 : memref<!tpu.dma_semaphore, #tpu.memory_space<semaphore_mem>>) src(%arg9 : memref<200x128xf32, #tpu.memory_space<vmem>>) dst(%dma_wait3A_395 : memref<200x128xf32, #tpu.memory_space<hbm>>)
            %sub3A_396 = arith.constant 400 : i32
            %sub3A_397 = arith.subi %add3A_342, %sub3A_396 : i32
            %add3A_398 = arith.constant 15 : i32
            %add3A_399 = arith.addi %while3A_152, %add3A_398 : i32
            %jit3A_400 = arith.constant 16 : i32
            %div3A_401 = arith.divsi %add3A_399, %jit3A_400 : i32
            %sign3A_402 = arith.constant 0 : i32
            %sign3A_403 = arith.cmpi sgt, %add3A_399, %sign3A_402 : i32
            %sign3A_404 = arith.extui %sign3A_403 : i1 to i32
            %sign3A_405 = arith.constant 0 : i32
            %sign3A_406 = arith.cmpi slt, %add3A_399, %sign3A_405 : i32
            %sign3A_407 = arith.extui %sign3A_406 : i1 to i32
            %sign3A_408 = arith.subi %sign3A_404, %sign3A_407 : i32
            %sign3A_409 = arith.constant 0 : i32
            %sign3A_410 = arith.cmpi sgt, %jit3A_400, %sign3A_409 : i32
            %sign3A_411 = arith.extui %sign3A_410 : i1 to i32
            %sign3A_412 = arith.constant 0 : i32
            %sign3A_413 = arith.cmpi slt, %jit3A_400, %sign3A_412 : i32
            %sign3A_414 = arith.extui %sign3A_413 : i1 to i32
            %sign3A_415 = arith.subi %sign3A_411, %sign3A_414 : i32
            %ne3A_416 = arith.cmpi ne, %sign3A_408, %sign3A_415 : i32
            %rem3A_417 = arith.remsi %add3A_399, %jit3A_400 : i32
            %ne3A_418 = arith.constant 0 : i32
            %ne3A_419 = arith.cmpi ne, %rem3A_417, %ne3A_418 : i32
            %and3A_420 = arith.andi %ne3A_416, %ne3A_419 : i1
            %sub3A_421 = arith.constant 1 : i32
            %sub3A_422 = arith.subi %div3A_401, %sub3A_421 : i32
            %select_n3A_423 = arith.select %and3A_420, %sub3A_422, %div3A_401 : i32
            %while3A_424 = arith.constant 0 : i32
            %while3A_425 = arith.constant 0 : i32
            %while3A_426 = arith.subi %select_n3A_423, %while3A_425 : i32
            %while3A_427 = arith.addi %while3A_425, %while3A_426 : i32
            %while3A_428 = arith.constant 1 : i32
            %while3A_429 = arith.divsi %while3A_426, %while3A_428 : i32
            %while3A_430 = arith.muli %while3A_429, %while3A_428 : i32
            %while3A_431 = arith.addi %while3A_425, %while3A_430 : i32
            %while3A_432 = arith.constant 1 : i32
            scf.for %while3A_434 = %while3A_425 to %while3A_431 step %while3A_432  : i32 {
              %mul3A_435 = arith.constant 16 : i32
              %mul3A_436 = arith.muli %while3A_434, %mul3A_435 : i32
              %get3A = arith.index_cast %mul3A_436 : i32 to index
              %get3A_437 = tpu.vector_load %arg7[%get3A] {strides = array<i32>} : memref<25616xi32, #tpu.memory_space<vmem>>, vector<16xi32>,
              %and3A_438 = arith.constant 32767 : i32
              %and3A_439 = vector.broadcast %and3A_438 : i32 to vector<16xi32>
              %and3A_440 = arith.andi %get3A_437, %and3A_439 : vector<16xi32>
              %shift_right_logical3A = arith.constant 15 : i32
              %shift_right_logical3A_441 = vector.broadcast %shift_right_logical3A : i32 to vector<16xi32>
              %shift_right_logical3A_442 = arith.shrui %get3A_437, %shift_right_logical3A_441 : vector<16xi32>
              %sub3A_443 = vector.broadcast %sub3A_397 : i32 to vector<16xi32>
              %sub3A_444 = arith.subi %and3A_440, %sub3A_443 : vector<16xi32>
              %ge3A = arith.constant 0 : i32
              %ge3A_445 = vector.broadcast %ge3A : i32 to vector<16xi32>
              %ge3A_446 = arith.cmpi sge, %sub3A_444, %ge3A_445 : vector<16xi32>
              %lt3A_447 = arith.constant 200 : i32
              %lt3A_448 = vector.broadcast %lt3A_447 : i32 to vector<16xi32>
              %lt3A_449 = arith.cmpi slt, %sub3A_444, %lt3A_448 : vector<16xi32>
              %and3A_450 = arith.andi %ge3A_446, %lt3A_449 : vector<16xi1>
              tpu.vector_store_idx %arg9[%sub3A_444, %shift_right_logical3A_442], %broadcast_in_dim3A_39 masked %and3A_450 : memref<200x128xf32, #tpu.memory_space<vmem>>[vector<16xi32>, vector<16xi32>], vector<16xf32>, vector<16xi1>
            }
            %while3A_433 = arith.constant 1 : i32
            scf.for %while3A_434 = %while3A_431 to %while3A_427 step %while3A_433  : i32 {
              %mul3A_435 = arith.constant 16 : i32
              %mul3A_436 = arith.muli %while3A_434, %mul3A_435 : i32
              %get3A = arith.index_cast %mul3A_436 : i32 to index
              %get3A_437 = tpu.vector_load %arg7[%get3A] {strides = array<i32>} : memref<25616xi32, #tpu.memory_space<vmem>>, vector<16xi32>,
              %and3A_438 = arith.constant 32767 : i32
              %and3A_439 = vector.broadcast %and3A_438 : i32 to vector<16xi32>
              %and3A_440 = arith.andi %get3A_437, %and3A_439 : vector<16xi32>
              %shift_right_logical3A = arith.constant 15 : i32
              %shift_right_logical3A_441 = vector.broadcast %shift_right_logical3A : i32 to vector<16xi32>
              %shift_right_logical3A_442 = arith.shrui %get3A_437, %shift_right_logical3A_441 : vector<16xi32>
              %sub3A_443 = vector.broadcast %sub3A_397 : i32 to vector<16xi32>
              %sub3A_444 = arith.subi %and3A_440, %sub3A_443 : vector<16xi32>
              %ge3A = arith.constant 0 : i32
              %ge3A_445 = vector.broadcast %ge3A : i32 to vector<16xi32>
              %ge3A_446 = arith.cmpi sge, %sub3A_444, %ge3A_445 : vector<16xi32>
              %lt3A_447 = arith.constant 200 : i32
              %lt3A_448 = vector.broadcast %lt3A_447 : i32 to vector<16xi32>
              %lt3A_449 = arith.cmpi slt, %sub3A_444, %lt3A_448 : vector<16xi32>
              %and3A_450 = arith.andi %ge3A_446, %lt3A_449 : vector<16xi1>
              tpu.vector_store_idx %arg9[%sub3A_444, %shift_right_logical3A_442], %broadcast_in_dim3A_39 masked %and3A_450 : memref<200x128xf32, #tpu.memory_space<vmem>>[vector<16xi32>, vector<16xi32>], vector<16xf32>, vector<16xi1>
            }
          } else {
          }
          %add3A_350 = arith.constant 15 : i32
          %add3A_351 = arith.addi %while3A_152, %add3A_350 : i32
          %jit3A_352 = arith.constant 16 : i32
          %div3A_353 = arith.divsi %add3A_351, %jit3A_352 : i32
          %sign3A_354 = arith.constant 0 : i32
          %sign3A_355 = arith.cmpi sgt, %add3A_351, %sign3A_354 : i32
          %sign3A_356 = arith.extui %sign3A_355 : i1 to i32
          %sign3A_357 = arith.constant 0 : i32
          %sign3A_358 = arith.cmpi slt, %add3A_351, %sign3A_357 : i32
          %sign3A_359 = arith.extui %sign3A_358 : i1 to i32
          %sign3A_360 = arith.subi %sign3A_356, %sign3A_359 : i32
          %sign3A_361 = arith.constant 0 : i32
          %sign3A_362 = arith.cmpi sgt, %jit3A_352, %sign3A_361 : i32
          %sign3A_363 = arith.extui %sign3A_362 : i1 to i32
          %sign3A_364 = arith.constant 0 : i32
          %sign3A_365 = arith.cmpi slt, %jit3A_352, %sign3A_364 : i32
          %sign3A_366 = arith.extui %sign3A_365 : i1 to i32
          %sign3A_367 = arith.subi %sign3A_363, %sign3A_366 : i32
          %ne3A_368 = arith.cmpi ne, %sign3A_360, %sign3A_367 : i32
          %rem3A_369 = arith.remsi %add3A_351, %jit3A_352 : i32
          %ne3A_370 = arith.constant 0 : i32
          %ne3A_371 = arith.cmpi ne, %rem3A_369, %ne3A_370 : i32
          %and3A_372 = arith.andi %ne3A_368, %ne3A_371 : i1
          %sub3A_373 = arith.constant 1 : i32
          %sub3A_374 = arith.subi %div3A_353, %sub3A_373 : i32
          %select_n3A_375 = arith.select %and3A_372, %sub3A_374, %div3A_353 : i32
          %while3A_376 = arith.constant 0 : i32
          %while3A_377 = arith.constant 0 : i32
          %while3A_378 = arith.subi %select_n3A_375, %while3A_377 : i32
          %while3A_379 = arith.addi %while3A_377, %while3A_378 : i32
          %while3A_380 = arith.constant 1 : i32
          %while3A_381 = arith.divsi %while3A_378, %while3A_380 : i32
          %while3A_382 = arith.muli %while3A_381, %while3A_380 : i32
          %while3A_383 = arith.addi %while3A_377, %while3A_382 : i32
          %while3A_384 = arith.constant 1 : i32
          scf.for %while3A_390 = %while3A_377 to %while3A_383 step %while3A_384  : i32 {
            %mul3A_391 = arith.constant 16 : i32
            %mul3A_392 = arith.muli %while3A_390, %mul3A_391 : i32
            %get3A = arith.index_cast %mul3A_392 : i32 to index
            %get3A_393 = tpu.vector_load %arg7[%get3A] {strides = array<i32>} : memref<25616xi32, #tpu.memory_space<vmem>>, vector<16xi32>,
            %and3A_394 = arith.constant 32767 : i32
            %and3A_395 = vector.broadcast %and3A_394 : i32 to vector<16xi32>
            %and3A_396 = arith.andi %get3A_393, %and3A_395 : vector<16xi32>
            %shift_right_logical3A = arith.constant 15 : i32
            %shift_right_logical3A_397 = vector.broadcast %shift_right_logical3A : i32 to vector<16xi32>
            %shift_right_logical3A_398 = arith.shrui %get3A_393, %shift_right_logical3A_397 : vector<16xi32>
            %sub3A_399 = vector.broadcast %add3A_342 : i32 to vector<16xi32>
            %sub3A_400 = arith.subi %and3A_396, %sub3A_399 : vector<16xi32>
            %ge3A = arith.constant 0 : i32
            %ge3A_401 = vector.broadcast %ge3A : i32 to vector<16xi32>
            %ge3A_402 = arith.cmpi sge, %sub3A_400, %ge3A_401 : vector<16xi32>
            %lt3A_403 = arith.constant 200 : i32
            %lt3A_404 = vector.broadcast %lt3A_403 : i32 to vector<16xi32>
            %lt3A_405 = arith.cmpi slt, %sub3A_400, %lt3A_404 : vector<16xi32>
            %and3A_406 = arith.andi %ge3A_402, %lt3A_405 : vector<16xi1>
            tpu.vector_store_idx %arg9[%sub3A_400, %shift_right_logical3A_398], %broadcast_in_dim3A_37 masked %and3A_406 : memref<200x128xf32, #tpu.memory_space<vmem>>[vector<16xi32>, vector<16xi32>], vector<16xf32>, vector<16xi1>
          }
          %while3A_385 = arith.constant 1 : i32
          scf.for %while3A_390 = %while3A_383 to %while3A_379 step %while3A_385  : i32 {
            %mul3A_391 = arith.constant 16 : i32
            %mul3A_392 = arith.muli %while3A_390, %mul3A_391 : i32
            %get3A = arith.index_cast %mul3A_392 : i32 to index
            %get3A_393 = tpu.vector_load %arg7[%get3A] {strides = array<i32>} : memref<25616xi32, #tpu.memory_space<vmem>>, vector<16xi32>,
            %and3A_394 = arith.constant 32767 : i32
            %and3A_395 = vector.broadcast %and3A_394 : i32 to vector<16xi32>
            %and3A_396 = arith.andi %get3A_393, %and3A_395 : vector<16xi32>
            %shift_right_logical3A = arith.constant 15 : i32
            %shift_right_logical3A_397 = vector.broadcast %shift_right_logical3A : i32 to vector<16xi32>
            %shift_right_logical3A_398 = arith.shrui %get3A_393, %shift_right_logical3A_397 : vector<16xi32>
            %sub3A_399 = vector.broadcast %add3A_342 : i32 to vector<16xi32>
            %sub3A_400 = arith.subi %and3A_396, %sub3A_399 : vector<16xi32>
            %ge3A = arith.constant 0 : i32
            %ge3A_401 = vector.broadcast %ge3A : i32 to vector<16xi32>
            %ge3A_402 = arith.cmpi sge, %sub3A_400, %ge3A_401 : vector<16xi32>
            %lt3A_403 = arith.constant 200 : i32
            %lt3A_404 = vector.broadcast %lt3A_403 : i32 to vector<16xi32>
            %lt3A_405 = arith.cmpi slt, %sub3A_400, %lt3A_404 : vector<16xi32>
            %and3A_406 = arith.andi %ge3A_402, %lt3A_405 : vector<16xi1>
            tpu.vector_store_idx %arg9[%sub3A_400, %shift_right_logical3A_398], %broadcast_in_dim3A_37 masked %and3A_406 : memref<200x128xf32, #tpu.memory_space<vmem>>[vector<16xi32>, vector<16xi32>], vector<16xf32>, vector<16xi1>
          }
          %add3A_386 = arith.addi %mul3A_34, %add3A_342 : i32
          %multiple_of3A_387 = tpu.assume_multiple %add3A_386, 8 : i32
          %dma_start3A_388 = tpu.memref_slice %arg3[%multiple_of3A_387, %multiple_of3A] : memref<100000x1024xf32, #tpu.memory_space<hbm>> -> memref<200x128xf32, #tpu.memory_space<hbm>>
          %dma_start3A_389 = tpu.memref_slice %arg3[%multiple_of3A_387, %multiple_of3A] : memref<100000x1024xf32, #tpu.memory_space<hbm>> -> memref<200x128xf32, #tpu.memory_space<hbm>>
          tpu.enqueue_dma source(%arg9 : memref<200x128xf32, #tpu.memory_space<vmem>>) target(%dma_start3A_389 : memref<200x128xf32, #tpu.memory_space<hbm>>) target_semaphore(%arg11 : memref<!tpu.dma_semaphore, #tpu.memory_space<semaphore_mem>>)
        }
        %scan3A_160 = arith.constant 2 : i32
        %add3A_161 = arith.constant 800 : i32
        %add3A_162 = arith.addi %add3A_112, %add3A_161 : i32
        %not3A = arith.constant false
        %not3A_163 = arith.constant true
        %not3A_164 = arith.xori %not3A, %not3A_163 : i1
        %convert_element_type3A = arith.extui %not3A_164 : i1 to i32
        %cond3A = arith.constant 0 : i32
        %cond3A_165 = arith.cmpi ne, %convert_element_type3A, %cond3A : i32
        scf.if %cond3A_165 {
          %sub3A_288 = arith.constant 400 : i32
          %sub3A_289 = arith.subi %add3A_162, %sub3A_288 : i32
          %add3A_290 = arith.addi %mul3A_34, %sub3A_289 : i32
          %multiple_of3A_291 = tpu.assume_multiple %add3A_290, 8 : i32
          %dma_wait3A_292 = tpu.memref_slice %arg3[%multiple_of3A_291, %multiple_of3A] : memref<100000x1024xf32, #tpu.memory_space<hbm>> -> memref<200x128xf32, #tpu.memory_space<hbm>>
          %dma_wait3A_293 = tpu.memref_slice %arg3[%multiple_of3A_291, %multiple_of3A] : memref<100000x1024xf32, #tpu.memory_space<hbm>> -> memref<200x128xf32, #tpu.memory_space<hbm>>
          tpu.wait_dma2 semaphore(%arg10 : memref<!tpu.dma_semaphore, #tpu.memory_space<semaphore_mem>>) src(%arg8 : memref<200x128xf32, #tpu.memory_space<vmem>>) dst(%dma_wait3A_293 : memref<200x128xf32, #tpu.memory_space<hbm>>)
          %sub3A_294 = arith.constant 400 : i32
          %sub3A_295 = arith.subi %add3A_162, %sub3A_294 : i32
          %add3A_296 = arith.constant 15 : i32
          %add3A_297 = arith.addi %while3A_152, %add3A_296 : i32
          %jit3A_298 = arith.constant 16 : i32
          %div3A_299 = arith.divsi %add3A_297, %jit3A_298 : i32
          %sign3A_300 = arith.constant 0 : i32
          %sign3A_301 = arith.cmpi sgt, %add3A_297, %sign3A_300 : i32
          %sign3A_302 = arith.extui %sign3A_301 : i1 to i32
          %sign3A_303 = arith.constant 0 : i32
          %sign3A_304 = arith.cmpi slt, %add3A_297, %sign3A_303 : i32
          %sign3A_305 = arith.extui %sign3A_304 : i1 to i32
          %sign3A_306 = arith.subi %sign3A_302, %sign3A_305 : i32
          %sign3A_307 = arith.constant 0 : i32
          %sign3A_308 = arith.cmpi sgt, %jit3A_298, %sign3A_307 : i32
          %sign3A_309 = arith.extui %sign3A_308 : i1 to i32
          %sign3A_310 = arith.constant 0 : i32
          %sign3A_311 = arith.cmpi slt, %jit3A_298, %sign3A_310 : i32
          %sign3A_312 = arith.extui %sign3A_311 : i1 to i32
          %sign3A_313 = arith.subi %sign3A_309, %sign3A_312 : i32
          %ne3A_314 = arith.cmpi ne, %sign3A_306, %sign3A_313 : i32
          %rem3A_315 = arith.remsi %add3A_297, %jit3A_298 : i32
          %ne3A_316 = arith.constant 0 : i32
          %ne3A_317 = arith.cmpi ne, %rem3A_315, %ne3A_316 : i32
          %and3A_318 = arith.andi %ne3A_314, %ne3A_317 : i1
          %sub3A_319 = arith.constant 1 : i32
          %sub3A_320 = arith.subi %div3A_299, %sub3A_319 : i32
          %select_n3A_321 = arith.select %and3A_318, %sub3A_320, %div3A_299 : i32
          %while3A_322 = arith.constant 0 : i32
          %while3A_323 = arith.constant 0 : i32
          %while3A_324 = arith.subi %select_n3A_321, %while3A_323 : i32
          %while3A_325 = arith.addi %while3A_323, %while3A_324 : i32
          %while3A_326 = arith.constant 1 : i32
          %while3A_327 = arith.divsi %while3A_324, %while3A_326 : i32
          %while3A_328 = arith.muli %while3A_327, %while3A_326 : i32
          %while3A_329 = arith.addi %while3A_323, %while3A_328 : i32
          %while3A_330 = arith.constant 1 : i32
          scf.for %while3A_332 = %while3A_323 to %while3A_329 step %while3A_330  : i32 {
            %mul3A_333 = arith.constant 16 : i32
            %mul3A_334 = arith.muli %while3A_332, %mul3A_333 : i32
            %get3A = arith.index_cast %mul3A_334 : i32 to index
            %get3A_335 = tpu.vector_load %arg7[%get3A] {strides = array<i32>} : memref<25616xi32, #tpu.memory_space<vmem>>, vector<16xi32>,
            %and3A_336 = arith.constant 32767 : i32
            %and3A_337 = vector.broadcast %and3A_336 : i32 to vector<16xi32>
            %and3A_338 = arith.andi %get3A_335, %and3A_337 : vector<16xi32>
            %shift_right_logical3A = arith.constant 15 : i32
            %shift_right_logical3A_339 = vector.broadcast %shift_right_logical3A : i32 to vector<16xi32>
            %shift_right_logical3A_340 = arith.shrui %get3A_335, %shift_right_logical3A_339 : vector<16xi32>
            %sub3A_341 = vector.broadcast %sub3A_295 : i32 to vector<16xi32>
            %sub3A_342 = arith.subi %and3A_338, %sub3A_341 : vector<16xi32>
            %ge3A = arith.constant 0 : i32
            %ge3A_343 = vector.broadcast %ge3A : i32 to vector<16xi32>
            %ge3A_344 = arith.cmpi sge, %sub3A_342, %ge3A_343 : vector<16xi32>
            %lt3A_345 = arith.constant 200 : i32
            %lt3A_346 = vector.broadcast %lt3A_345 : i32 to vector<16xi32>
            %lt3A_347 = arith.cmpi slt, %sub3A_342, %lt3A_346 : vector<16xi32>
            %and3A_348 = arith.andi %ge3A_344, %lt3A_347 : vector<16xi1>
            tpu.vector_store_idx %arg8[%sub3A_342, %shift_right_logical3A_340], %broadcast_in_dim3A_39 masked %and3A_348 : memref<200x128xf32, #tpu.memory_space<vmem>>[vector<16xi32>, vector<16xi32>], vector<16xf32>, vector<16xi1>
          }
          %while3A_331 = arith.constant 1 : i32
          scf.for %while3A_332 = %while3A_329 to %while3A_325 step %while3A_331  : i32 {
            %mul3A_333 = arith.constant 16 : i32
            %mul3A_334 = arith.muli %while3A_332, %mul3A_333 : i32
            %get3A = arith.index_cast %mul3A_334 : i32 to index
            %get3A_335 = tpu.vector_load %arg7[%get3A] {strides = array<i32>} : memref<25616xi32, #tpu.memory_space<vmem>>, vector<16xi32>,
            %and3A_336 = arith.constant 32767 : i32
            %and3A_337 = vector.broadcast %and3A_336 : i32 to vector<16xi32>
            %and3A_338 = arith.andi %get3A_335, %and3A_337 : vector<16xi32>
            %shift_right_logical3A = arith.constant 15 : i32
            %shift_right_logical3A_339 = vector.broadcast %shift_right_logical3A : i32 to vector<16xi32>
            %shift_right_logical3A_340 = arith.shrui %get3A_335, %shift_right_logical3A_339 : vector<16xi32>
            %sub3A_341 = vector.broadcast %sub3A_295 : i32 to vector<16xi32>
            %sub3A_342 = arith.subi %and3A_338, %sub3A_341 : vector<16xi32>
            %ge3A = arith.constant 0 : i32
            %ge3A_343 = vector.broadcast %ge3A : i32 to vector<16xi32>
            %ge3A_344 = arith.cmpi sge, %sub3A_342, %ge3A_343 : vector<16xi32>
            %lt3A_345 = arith.constant 200 : i32
            %lt3A_346 = vector.broadcast %lt3A_345 : i32 to vector<16xi32>
            %lt3A_347 = arith.cmpi slt, %sub3A_342, %lt3A_346 : vector<16xi32>
            %and3A_348 = arith.andi %ge3A_344, %lt3A_347 : vector<16xi1>
            tpu.vector_store_idx %arg8[%sub3A_342, %shift_right_logical3A_340], %broadcast_in_dim3A_39 masked %and3A_348 : memref<200x128xf32, #tpu.memory_space<vmem>>[vector<16xi32>, vector<16xi32>], vector<16xf32>, vector<16xi1>
          }
        } else {
        }
        %add3A_166 = arith.constant 15 : i32
        %add3A_167 = arith.addi %while3A_152, %add3A_166 : i32
        %jit3A_168 = arith.constant 16 : i32
        %div3A_169 = arith.divsi %add3A_167, %jit3A_168 : i32
        %sign3A_170 = arith.constant 0 : i32
        %sign3A_171 = arith.cmpi sgt, %add3A_167, %sign3A_170 : i32
        %sign3A_172 = arith.extui %sign3A_171 : i1 to i32
        %sign3A_173 = arith.constant 0 : i32
        %sign3A_174 = arith.cmpi slt, %add3A_167, %sign3A_173 : i32
        %sign3A_175 = arith.extui %sign3A_174 : i1 to i32
        %sign3A_176 = arith.subi %sign3A_172, %sign3A_175 : i32
        %sign3A_177 = arith.constant 0 : i32
        %sign3A_178 = arith.cmpi sgt, %jit3A_168, %sign3A_177 : i32
        %sign3A_179 = arith.extui %sign3A_178 : i1 to i32
        %sign3A_180 = arith.constant 0 : i32
        %sign3A_181 = arith.cmpi slt, %jit3A_168, %sign3A_180 : i32
        %sign3A_182 = arith.extui %sign3A_181 : i1 to i32
        %sign3A_183 = arith.subi %sign3A_179, %sign3A_182 : i32
        %ne3A_184 = arith.cmpi ne, %sign3A_176, %sign3A_183 : i32
        %rem3A_185 = arith.remsi %add3A_167, %jit3A_168 : i32
        %ne3A_186 = arith.constant 0 : i32
        %ne3A_187 = arith.cmpi ne, %rem3A_185, %ne3A_186 : i32
        %and3A_188 = arith.andi %ne3A_184, %ne3A_187 : i1
        %sub3A_189 = arith.constant 1 : i32
        %sub3A_190 = arith.subi %div3A_169, %sub3A_189 : i32
        %select_n3A_191 = arith.select %and3A_188, %sub3A_190, %div3A_169 : i32
        %while3A_192 = arith.constant 0 : i32
        %while3A_193 = arith.constant 0 : i32
        %while3A_194 = arith.subi %select_n3A_191, %while3A_193 : i32
        %while3A_195 = arith.addi %while3A_193, %while3A_194 : i32
        %while3A_196 = arith.constant 1 : i32
        %while3A_197 = arith.divsi %while3A_194, %while3A_196 : i32
        %while3A_198 = arith.muli %while3A_197, %while3A_196 : i32
        %while3A_199 = arith.addi %while3A_193, %while3A_198 : i32
        %while3A_200 = arith.constant 1 : i32
        scf.for %while3A_288 = %while3A_193 to %while3A_199 step %while3A_200  : i32 {
          %mul3A_289 = arith.constant 16 : i32
          %mul3A_290 = arith.muli %while3A_288, %mul3A_289 : i32
          %get3A = arith.index_cast %mul3A_290 : i32 to index
          %get3A_291 = tpu.vector_load %arg7[%get3A] {strides = array<i32>} : memref<25616xi32, #tpu.memory_space<vmem>>, vector<16xi32>,
          %and3A_292 = arith.constant 32767 : i32
          %and3A_293 = vector.broadcast %and3A_292 : i32 to vector<16xi32>
          %and3A_294 = arith.andi %get3A_291, %and3A_293 : vector<16xi32>
          %shift_right_logical3A = arith.constant 15 : i32
          %shift_right_logical3A_295 = vector.broadcast %shift_right_logical3A : i32 to vector<16xi32>
          %shift_right_logical3A_296 = arith.shrui %get3A_291, %shift_right_logical3A_295 : vector<16xi32>
          %sub3A_297 = vector.broadcast %add3A_162 : i32 to vector<16xi32>
          %sub3A_298 = arith.subi %and3A_294, %sub3A_297 : vector<16xi32>
          %ge3A = arith.constant 0 : i32
          %ge3A_299 = vector.broadcast %ge3A : i32 to vector<16xi32>
          %ge3A_300 = arith.cmpi sge, %sub3A_298, %ge3A_299 : vector<16xi32>
          %lt3A_301 = arith.constant 200 : i32
          %lt3A_302 = vector.broadcast %lt3A_301 : i32 to vector<16xi32>
          %lt3A_303 = arith.cmpi slt, %sub3A_298, %lt3A_302 : vector<16xi32>
          %and3A_304 = arith.andi %ge3A_300, %lt3A_303 : vector<16xi1>
          tpu.vector_store_idx %arg8[%sub3A_298, %shift_right_logical3A_296], %broadcast_in_dim3A_37 masked %and3A_304 : memref<200x128xf32, #tpu.memory_space<vmem>>[vector<16xi32>, vector<16xi32>], vector<16xf32>, vector<16xi1>
        }
        %while3A_201 = arith.constant 1 : i32
        scf.for %while3A_288 = %while3A_199 to %while3A_195 step %while3A_201  : i32 {
          %mul3A_289 = arith.constant 16 : i32
          %mul3A_290 = arith.muli %while3A_288, %mul3A_289 : i32
          %get3A = arith.index_cast %mul3A_290 : i32 to index
          %get3A_291 = tpu.vector_load %arg7[%get3A] {strides = array<i32>} : memref<25616xi32, #tpu.memory_space<vmem>>, vector<16xi32>,
          %and3A_292 = arith.constant 32767 : i32
          %and3A_293 = vector.broadcast %and3A_292 : i32 to vector<16xi32>
          %and3A_294 = arith.andi %get3A_291, %and3A_293 : vector<16xi32>
          %shift_right_logical3A = arith.constant 15 : i32
          %shift_right_logical3A_295 = vector.broadcast %shift_right_logical3A : i32 to vector<16xi32>
          %shift_right_logical3A_296 = arith.shrui %get3A_291, %shift_right_logical3A_295 : vector<16xi32>
          %sub3A_297 = vector.broadcast %add3A_162 : i32 to vector<16xi32>
          %sub3A_298 = arith.subi %and3A_294, %sub3A_297 : vector<16xi32>
          %ge3A = arith.constant 0 : i32
          %ge3A_299 = vector.broadcast %ge3A : i32 to vector<16xi32>
          %ge3A_300 = arith.cmpi sge, %sub3A_298, %ge3A_299 : vector<16xi32>
          %lt3A_301 = arith.constant 200 : i32
          %lt3A_302 = vector.broadcast %lt3A_301 : i32 to vector<16xi32>
          %lt3A_303 = arith.cmpi slt, %sub3A_298, %lt3A_302 : vector<16xi32>
          %and3A_304 = arith.andi %ge3A_300, %lt3A_303 : vector<16xi1>
          tpu.vector_store_idx %arg8[%sub3A_298, %shift_right_logical3A_296], %broadcast_in_dim3A_37 masked %and3A_304 : memref<200x128xf32, #tpu.memory_space<vmem>>[vector<16xi32>, vector<16xi32>], vector<16xf32>, vector<16xi1>
        }
        %add3A_202 = arith.addi %mul3A_34, %add3A_162 : i32
        %multiple_of3A_203 = tpu.assume_multiple %add3A_202, 8 : i32
        %dma_start3A = tpu.memref_slice %arg3[%multiple_of3A_203, %multiple_of3A] : memref<100000x1024xf32, #tpu.memory_space<hbm>> -> memref<200x128xf32, #tpu.memory_space<hbm>>
        %dma_start3A_204 = tpu.memref_slice %arg3[%multiple_of3A_203, %multiple_of3A] : memref<100000x1024xf32, #tpu.memory_space<hbm>> -> memref<200x128xf32, #tpu.memory_space<hbm>>
        tpu.enqueue_dma source(%arg8 : memref<200x128xf32, #tpu.memory_space<vmem>>) target(%dma_start3A_204 : memref<200x128xf32, #tpu.memory_space<hbm>>) target_semaphore(%arg10 : memref<!tpu.dma_semaphore, #tpu.memory_space<semaphore_mem>>)
        %sub3A_205 = arith.constant 200 : i32
        %sub3A_206 = arith.subi %add3A_162, %sub3A_205 : i32
        %add3A_207 = arith.addi %mul3A_34, %sub3A_206 : i32
        %multiple_of3A_208 = tpu.assume_multiple %add3A_207, 8 : i32
        %dma_wait3A = tpu.memref_slice %arg3[%multiple_of3A_208, %multiple_of3A] : memref<100000x1024xf32, #tpu.memory_space<hbm>> -> memref<200x128xf32, #tpu.memory_space<hbm>>
        %dma_wait3A_209 = tpu.memref_slice %arg3[%multiple_of3A_208, %multiple_of3A] : memref<100000x1024xf32, #tpu.memory_space<hbm>> -> memref<200x128xf32, #tpu.memory_space<hbm>>
        tpu.wait_dma2 semaphore(%arg11 : memref<!tpu.dma_semaphore, #tpu.memory_space<semaphore_mem>>) src(%arg9 : memref<200x128xf32, #tpu.memory_space<vmem>>) dst(%dma_wait3A_209 : memref<200x128xf32, #tpu.memory_space<hbm>>)
        %sub3A_210 = arith.constant 200 : i32
        %sub3A_211 = arith.subi %add3A_162, %sub3A_210 : i32
        %add3A_212 = arith.constant 15 : i32
        %add3A_213 = arith.addi %while3A_152, %add3A_212 : i32
        %jit3A_214 = arith.constant 16 : i32
        %div3A_215 = arith.divsi %add3A_213, %jit3A_214 : i32
        %sign3A_216 = arith.constant 0 : i32
        %sign3A_217 = arith.cmpi sgt, %add3A_213, %sign3A_216 : i32
        %sign3A_218 = arith.extui %sign3A_217 : i1 to i32
        %sign3A_219 = arith.constant 0 : i32
        %sign3A_220 = arith.cmpi slt, %add3A_213, %sign3A_219 : i32
        %sign3A_221 = arith.extui %sign3A_220 : i1 to i32
        %sign3A_222 = arith.subi %sign3A_218, %sign3A_221 : i32
        %sign3A_223 = arith.constant 0 : i32
        %sign3A_224 = arith.cmpi sgt, %jit3A_214, %sign3A_223 : i32
        %sign3A_225 = arith.extui %sign3A_224 : i1 to i32
        %sign3A_226 = arith.constant 0 : i32
        %sign3A_227 = arith.cmpi slt, %jit3A_214, %sign3A_226 : i32
        %sign3A_228 = arith.extui %sign3A_227 : i1 to i32
        %sign3A_229 = arith.subi %sign3A_225, %sign3A_228 : i32
        %ne3A_230 = arith.cmpi ne, %sign3A_222, %sign3A_229 : i32
        %rem3A_231 = arith.remsi %add3A_213, %jit3A_214 : i32
        %ne3A_232 = arith.constant 0 : i32
        %ne3A_233 = arith.cmpi ne, %rem3A_231, %ne3A_232 : i32
        %and3A_234 = arith.andi %ne3A_230, %ne3A_233 : i1
        %sub3A_235 = arith.constant 1 : i32
        %sub3A_236 = arith.subi %div3A_215, %sub3A_235 : i32
        %select_n3A_237 = arith.select %and3A_234, %sub3A_236, %div3A_215 : i32
        %while3A_238 = arith.constant 0 : i32
        %while3A_239 = arith.constant 0 : i32
        %while3A_240 = arith.subi %select_n3A_237, %while3A_239 : i32
        %while3A_241 = arith.addi %while3A_239, %while3A_240 : i32
        %while3A_242 = arith.constant 1 : i32
        %while3A_243 = arith.divsi %while3A_240, %while3A_242 : i32
        %while3A_244 = arith.muli %while3A_243, %while3A_242 : i32
        %while3A_245 = arith.addi %while3A_239, %while3A_244 : i32
        %while3A_246 = arith.constant 1 : i32
        scf.for %while3A_288 = %while3A_239 to %while3A_245 step %while3A_246  : i32 {
          %mul3A_289 = arith.constant 16 : i32
          %mul3A_290 = arith.muli %while3A_288, %mul3A_289 : i32
          %get3A = arith.index_cast %mul3A_290 : i32 to index
          %get3A_291 = tpu.vector_load %arg7[%get3A] {strides = array<i32>} : memref<25616xi32, #tpu.memory_space<vmem>>, vector<16xi32>,
          %and3A_292 = arith.constant 32767 : i32
          %and3A_293 = vector.broadcast %and3A_292 : i32 to vector<16xi32>
          %and3A_294 = arith.andi %get3A_291, %and3A_293 : vector<16xi32>
          %shift_right_logical3A = arith.constant 15 : i32
          %shift_right_logical3A_295 = vector.broadcast %shift_right_logical3A : i32 to vector<16xi32>
          %shift_right_logical3A_296 = arith.shrui %get3A_291, %shift_right_logical3A_295 : vector<16xi32>
          %sub3A_297 = vector.broadcast %sub3A_211 : i32 to vector<16xi32>
          %sub3A_298 = arith.subi %and3A_294, %sub3A_297 : vector<16xi32>
          %ge3A = arith.constant 0 : i32
          %ge3A_299 = vector.broadcast %ge3A : i32 to vector<16xi32>
          %ge3A_300 = arith.cmpi sge, %sub3A_298, %ge3A_299 : vector<16xi32>
          %lt3A_301 = arith.constant 200 : i32
          %lt3A_302 = vector.broadcast %lt3A_301 : i32 to vector<16xi32>
          %lt3A_303 = arith.cmpi slt, %sub3A_298, %lt3A_302 : vector<16xi32>
          %and3A_304 = arith.andi %ge3A_300, %lt3A_303 : vector<16xi1>
          tpu.vector_store_idx %arg9[%sub3A_298, %shift_right_logical3A_296], %broadcast_in_dim3A_39 masked %and3A_304 : memref<200x128xf32, #tpu.memory_space<vmem>>[vector<16xi32>, vector<16xi32>], vector<16xf32>, vector<16xi1>
        }
        %while3A_247 = arith.constant 1 : i32
        scf.for %while3A_288 = %while3A_245 to %while3A_241 step %while3A_247  : i32 {
          %mul3A_289 = arith.constant 16 : i32
          %mul3A_290 = arith.muli %while3A_288, %mul3A_289 : i32
          %get3A = arith.index_cast %mul3A_290 : i32 to index
          %get3A_291 = tpu.vector_load %arg7[%get3A] {strides = array<i32>} : memref<25616xi32, #tpu.memory_space<vmem>>, vector<16xi32>,
          %and3A_292 = arith.constant 32767 : i32
          %and3A_293 = vector.broadcast %and3A_292 : i32 to vector<16xi32>
          %and3A_294 = arith.andi %get3A_291, %and3A_293 : vector<16xi32>
          %shift_right_logical3A = arith.constant 15 : i32
          %shift_right_logical3A_295 = vector.broadcast %shift_right_logical3A : i32 to vector<16xi32>
          %shift_right_logical3A_296 = arith.shrui %get3A_291, %shift_right_logical3A_295 : vector<16xi32>
          %sub3A_297 = vector.broadcast %sub3A_211 : i32 to vector<16xi32>
          %sub3A_298 = arith.subi %and3A_294, %sub3A_297 : vector<16xi32>
          %ge3A = arith.constant 0 : i32
          %ge3A_299 = vector.broadcast %ge3A : i32 to vector<16xi32>
          %ge3A_300 = arith.cmpi sge, %sub3A_298, %ge3A_299 : vector<16xi32>
          %lt3A_301 = arith.constant 200 : i32
          %lt3A_302 = vector.broadcast %lt3A_301 : i32 to vector<16xi32>
          %lt3A_303 = arith.cmpi slt, %sub3A_298, %lt3A_302 : vector<16xi32>
          %and3A_304 = arith.andi %ge3A_300, %lt3A_303 : vector<16xi1>
          tpu.vector_store_idx %arg9[%sub3A_298, %shift_right_logical3A_296], %broadcast_in_dim3A_39 masked %and3A_304 : memref<200x128xf32, #tpu.memory_space<vmem>>[vector<16xi32>, vector<16xi32>], vector<16xf32>, vector<16xi1>
        }
        %add3A_248 = arith.addi %mul3A_34, %add3A_162 : i32
        %multiple_of3A_249 = tpu.assume_multiple %add3A_248, 8 : i32
        %dma_wait3A_250 = tpu.memref_slice %arg3[%multiple_of3A_249, %multiple_of3A] : memref<100000x1024xf32, #tpu.memory_space<hbm>> -> memref<200x128xf32, #tpu.memory_space<hbm>>
        %dma_wait3A_251 = tpu.memref_slice %arg3[%multiple_of3A_249, %multiple_of3A] : memref<100000x1024xf32, #tpu.memory_space<hbm>> -> memref<200x128xf32, #tpu.memory_space<hbm>>
        tpu.wait_dma2 semaphore(%arg10 : memref<!tpu.dma_semaphore, #tpu.memory_space<semaphore_mem>>) src(%arg8 : memref<200x128xf32, #tpu.memory_space<vmem>>) dst(%dma_wait3A_251 : memref<200x128xf32, #tpu.memory_space<hbm>>)
        %add3A_252 = arith.constant 15 : i32
        %add3A_253 = arith.addi %while3A_152, %add3A_252 : i32
        %jit3A_254 = arith.constant 16 : i32
        %div3A_255 = arith.divsi %add3A_253, %jit3A_254 : i32
        %sign3A_256 = arith.constant 0 : i32
        %sign3A_257 = arith.cmpi sgt, %add3A_253, %sign3A_256 : i32
        %sign3A_258 = arith.extui %sign3A_257 : i1 to i32
        %sign3A_259 = arith.constant 0 : i32
        %sign3A_260 = arith.cmpi slt, %add3A_253, %sign3A_259 : i32
        %sign3A_261 = arith.extui %sign3A_260 : i1 to i32
        %sign3A_262 = arith.subi %sign3A_258, %sign3A_261 : i32
        %sign3A_263 = arith.constant 0 : i32
        %sign3A_264 = arith.cmpi sgt, %jit3A_254, %sign3A_263 : i32
        %sign3A_265 = arith.extui %sign3A_264 : i1 to i32
        %sign3A_266 = arith.constant 0 : i32
        %sign3A_267 = arith.cmpi slt, %jit3A_254, %sign3A_266 : i32
        %sign3A_268 = arith.extui %sign3A_267 : i1 to i32
        %sign3A_269 = arith.subi %sign3A_265, %sign3A_268 : i32
        %ne3A_270 = arith.cmpi ne, %sign3A_262, %sign3A_269 : i32
        %rem3A_271 = arith.remsi %add3A_253, %jit3A_254 : i32
        %ne3A_272 = arith.constant 0 : i32
        %ne3A_273 = arith.cmpi ne, %rem3A_271, %ne3A_272 : i32
        %and3A_274 = arith.andi %ne3A_270, %ne3A_273 : i1
        %sub3A_275 = arith.constant 1 : i32
        %sub3A_276 = arith.subi %div3A_255, %sub3A_275 : i32
        %select_n3A_277 = arith.select %and3A_274, %sub3A_276, %div3A_255 : i32
        %while3A_278 = arith.constant 0 : i32
        %while3A_279 = arith.constant 0 : i32
        %while3A_280 = arith.subi %select_n3A_277, %while3A_279 : i32
        %while3A_281 = arith.addi %while3A_279, %while3A_280 : i32
        %while3A_282 = arith.constant 1 : i32
        %while3A_283 = arith.divsi %while3A_280, %while3A_282 : i32
        %while3A_284 = arith.muli %while3A_283, %while3A_282 : i32
        %while3A_285 = arith.addi %while3A_279, %while3A_284 : i32
        %while3A_286 = arith.constant 1 : i32
        scf.for %while3A_288 = %while3A_279 to %while3A_285 step %while3A_286  : i32 {
          %mul3A_289 = arith.constant 16 : i32
          %mul3A_290 = arith.muli %while3A_288, %mul3A_289 : i32
          %get3A = arith.index_cast %mul3A_290 : i32 to index
          %get3A_291 = tpu.vector_load %arg7[%get3A] {strides = array<i32>} : memref<25616xi32, #tpu.memory_space<vmem>>, vector<16xi32>,
          %and3A_292 = arith.constant 32767 : i32
          %and3A_293 = vector.broadcast %and3A_292 : i32 to vector<16xi32>
          %and3A_294 = arith.andi %get3A_291, %and3A_293 : vector<16xi32>
          %shift_right_logical3A = arith.constant 15 : i32
          %shift_right_logical3A_295 = vector.broadcast %shift_right_logical3A : i32 to vector<16xi32>
          %shift_right_logical3A_296 = arith.shrui %get3A_291, %shift_right_logical3A_295 : vector<16xi32>
          %sub3A_297 = vector.broadcast %add3A_162 : i32 to vector<16xi32>
          %sub3A_298 = arith.subi %and3A_294, %sub3A_297 : vector<16xi32>
          %ge3A = arith.constant 0 : i32
          %ge3A_299 = vector.broadcast %ge3A : i32 to vector<16xi32>
          %ge3A_300 = arith.cmpi sge, %sub3A_298, %ge3A_299 : vector<16xi32>
          %lt3A_301 = arith.constant 200 : i32
          %lt3A_302 = vector.broadcast %lt3A_301 : i32 to vector<16xi32>
          %lt3A_303 = arith.cmpi slt, %sub3A_298, %lt3A_302 : vector<16xi32>
          %and3A_304 = arith.andi %ge3A_300, %lt3A_303 : vector<16xi1>
          tpu.vector_store_idx %arg8[%sub3A_298, %shift_right_logical3A_296], %broadcast_in_dim3A_39 masked %and3A_304 : memref<200x128xf32, #tpu.memory_space<vmem>>[vector<16xi32>, vector<16xi32>], vector<16xf32>, vector<16xi1>
        }
        %while3A_287 = arith.constant 1 : i32
        scf.for %while3A_288 = %while3A_285 to %while3A_281 step %while3A_287  : i32 {
          %mul3A_289 = arith.constant 16 : i32
          %mul3A_290 = arith.muli %while3A_288, %mul3A_289 : i32
          %get3A = arith.index_cast %mul3A_290 : i32 to index
          %get3A_291 = tpu.vector_load %arg7[%get3A] {strides = array<i32>} : memref<25616xi32, #tpu.memory_space<vmem>>, vector<16xi32>,
          %and3A_292 = arith.constant 32767 : i32
          %and3A_293 = vector.broadcast %and3A_292 : i32 to vector<16xi32>
          %and3A_294 = arith.andi %get3A_291, %and3A_293 : vector<16xi32>
          %shift_right_logical3A = arith.constant 15 : i32
          %shift_right_logical3A_295 = vector.broadcast %shift_right_logical3A : i32 to vector<16xi32>
          %shift_right_logical3A_296 = arith.shrui %get3A_291, %shift_right_logical3A_295 : vector<16xi32>
          %sub3A_297 = vector.broadcast %add3A_162 : i32 to vector<16xi32>
          %sub3A_298 = arith.subi %and3A_294, %sub3A_297 : vector<16xi32>
          %ge3A = arith.constant 0 : i32
          %ge3A_299 = vector.broadcast %ge3A : i32 to vector<16xi32>
          %ge3A_300 = arith.cmpi sge, %sub3A_298, %ge3A_299 : vector<16xi32>
          %lt3A_301 = arith.constant 200 : i32
          %lt3A_302 = vector.broadcast %lt3A_301 : i32 to vector<16xi32>
          %lt3A_303 = arith.cmpi slt, %sub3A_298, %lt3A_302 : vector<16xi32>
          %and3A_304 = arith.andi %ge3A_300, %lt3A_303 : vector<16xi1>
          tpu.vector_store_idx %arg8[%sub3A_298, %shift_right_logical3A_296], %broadcast_in_dim3A_39 masked %and3A_304 : memref<200x128xf32, #tpu.memory_space<vmem>>[vector<16xi32>, vector<16xi32>], vector<16xf32>, vector<16xi1>
        }
      }
      %scan3A_108 = arith.constant 5 : i32
    }
    %scan3A_58 = arith.constant 5 : i32
    return
  }
}

</mosaic_0001>

<sc_bundles>
// kernel: kernel.3.cloned.1.call-start
scs
__scs_entry_jumppad:
0x0: {  	(pc) =	sbr.rel $0x88, $3  }
0x1: {  	(tag) =	ssettag $0x0;
	lr =	simm.s32 $0x1  }
0x2: {  	[smem:$0x3FA0] =	sst lr;
	_ =	strace $0xD0000000  }
0x3: {  	_ = 	snop  }
0x4: {  	_ = 	snop  }
0x5: {  	_ = 	snop  }
0x6: {  	_ = 	snop  }
0x7: {  	_ = 	snop  }
__scs_overlays_trampoline_lowered:
0x8: {  	[smem:$0x3FAF] =	sst s0  }
0x9: {  	[smem:$0x3FB0] =	sst s1  }
0xa: {  	[smem:$0x3FB1] =	sst s2  }
0xb: {  	[smem:$0x3FB2] =	sst s3  }
0xc: {  	[smem:$0x3FB3] =	sst s4  }
0xd: {  	[smem:$0x3FB4] =	sst s5  }
0xe: {  	[smem:$0x3FB5] =	sst s6  }
0xf: {  	[smem:$0x3FB6] =	sst s7  }
0x10: {  	[smem:$0x3FB7] =	sst s8  }
0x11: {  	[smem:$0x3FB8] =	sst s9;
	s0 =	simm.s32 @!p0 $0x0  }
0x12: {  	s1 =	sld [smem:$0x3F9E];
	s0 =	simm.s32 @p0 $0x1  }
0x13: {  	[smem:$0x3FB9] =	sst s0;
	s0 =	simm.s32 @!p1 $0x0  }
0x14: {  	s2 =	sld [smem:$0x3F9D];
	s0 =	simm.s32 @p1 $0x1  }
0x15: {  	[smem:$0x3FBA] =	sst s0;
	s0 =	simm.s32 @!p2 $0x0  }
0x16: {  	s3 =	sld [smem:$0x3FDB];
	s0 =	simm.s32 @p2 $0x1  }
0x17: {  	s4 =	simm.s32 $0x1BF5;
	[smem:$0x3FBC] =	sst s0  }
0x18: {  	s0 =	sld [smem:$0x3F9F];
	_ =	swait.ge [sflag:s4], $0x0  }
0x19: {  	s7 =	sld [smem:$0x3FA0]  }
0x1a: {  	s8 =	sadd.s32 $0xFFFFE003, lr  }
0x1b: {  	s9 =	sadd.s32 $0xFFFFFEF7, lr;
	s5 =	simm.s32 $0xFFFFFFFF;
	p2 =	slt.u32 s8, $0xFFFFF086  }
0x1c: {  	p1 =	slt.u32 s9, $0xF7A;
	s5 =	simm.s32 @!p2 $0x0  }
0x1d: {  	s5 =	simm.s32 @p1 $0x1;
	p0 =	seq.s32 s7, s2  }
0x1e: {  	s7 =	smul.u32 @!p0 $0xF7A, s2;
	p2 =	seq.s32 @!p0 s5, $0x0  }
0x1f: {  	s9 =	smul.u32 $0xF7A, s1;
	s8 =	simm.s32 @!p0 $0x1BF5;
	p2 =	por !p2, p0  }
0x20: {  	[sflag:s8] =	ssyncset.s32 @!p0 $0xFFFFF086;
	s6 =	sadd.s32 @!p0 s3, s7;
	s7 =	simm.s32 @!p0 $0x108  }
0x21: {  	s3 =	sadd.s32 s3, s9;
	s6 =	sadd.s32 @!p0 $0x88, s6;
	s7 =	simm.s32 @p2 $0x1082  }
0x22: {  	[simem:s7], [sflag:s8] =	dma.local @!p0 [hbm:s6], $0xF7A  }
0x23: {  	s9 =	sor.u32 $0xD0000000, s2;
	s6 =	simm.s32 $0x108;
	_ =	swait.ge @!p0 [sflag:s8], $0x0  }
0x24: {  	s3 =	sadd.s32 $0x88, s3;
	s6 =	simm.s32 @!p1 $0x1082;
	[sflag:s4] =	ssyncset.s32 $0xFFFFF086  }
0x25: {  	[simem:s6], [sflag:s4] =	dma.local [hbm:s3], $0xF7A  }
0x26: {  	[smem:$0x3FA0] =	sst s1;
	(tag) =	ssettag s2;
	_ =	strace s9  }
0x27: {  	s1 =	sld [smem:$0x3FB0]  }
0x28: {  	s2 =	sld [smem:$0x3FB1]  }
0x29: {  	s4 =	sld [smem:$0x3FB3]  }
0x2a: {  	p0 =	seq.s32 s5, $0x0;
	s5 =	sld [smem:$0x3FB4]  }
0x2b: {  	s6 =	sld [smem:$0x3FB5]  }
0x2c: {  	s7 =	sld [smem:$0x3FB6]  }
0x2d: {  	s3 =	simm.s32 $0x108;
	s8 =	sld [smem:$0x3FB7]  }
0x2e: {  	s3 =	simm.s32 @!p0 $0x1082;
	s9 =	sld [smem:$0x3FB8]  }
0x2f: {  	lr =	sadd.s32 s0, s3;
	s0 =	sld [smem:$0x3FAF]  }
0x30: {  	s3 =	sld [smem:$0x3FB2]  }
0x31: {  	[smem:$0x3FBB] =	sst s10  }
0x32: {  	s10 =	sld [smem:$0x3FB9];
	_ =	sdelay $0x3  }
0x33: {  	p0 =	seq.s32 s10, $0x1;
	s10 =	sld [smem:$0x3FBB];
	_ =	sdelay $0x3  }
0x34: {  	[smem:$0x3FBB] =	sst s10  }
0x35: {  	s10 =	sld [smem:$0x3FBA];
	_ =	sdelay $0x3  }
0x36: {  	p1 =	seq.s32 s10, $0x1;
	s10 =	sld [smem:$0x3FBB];
	_ =	sdelay $0x3  }
0x37: {  	[smem:$0x3FBB] =	sst s10  }
0x38: {  	s10 =	sld [smem:$0x3FBC]  }
0x39: {  	_ = 	snop;
	(pc) =	sbr.ind lr, $3  }
0x3a: {  	_ = 	snop  }
0x3b: {  	_ = 	snop  }
0x3c: {  	p2 =	seq.s32 s10, $0x1;
	s10 =	sld [smem:$0x3FBB]  }
0x3d: {  	_ =	shalt  }
0x3e: {  	_ =	shalt  }
0x3f: {  	_ =	shalt  }
0x40: {  	_ =	shalt  }
0x41: {  	_ =	shalt  }
0x42: {  	_ =	shalt  }
0x43: {  	_ =	shalt  }
0x44: {  	_ =	shalt  }
0x45: {  	_ =	shalt  }
0x46: {  	_ =	shalt  }
0x47: {  	_ =	shalt  }
0x48: {  	_ =	shalt  }
0x49: {  	_ =	shalt  }
0x4a: {  	_ =	shalt  }
0x4b: {  	_ =	shalt  }
0x4c: {  	_ =	shalt  }
0x4d: {  	_ =	shalt  }
0x4e: {  	_ =	shalt  }
0x4f: {  	_ =	shalt  }
0x50: {  	_ =	shalt  }
0x51: {  	_ =	shalt  }
0x52: {  	_ =	shalt  }
0x53: {  	_ =	shalt  }
0x54: {  	_ =	shalt  }
0x55: {  	_ =	shalt  }
0x56: {  	_ =	shalt  }
0x57: {  	_ =	shalt  }
0x58: {  	_ =	shalt  }
0x59: {  	_ =	shalt  }
0x5a: {  	_ =	shalt  }
0x5b: {  	_ =	shalt  }
0x5c: {  	_ =	shalt  }
0x5d: {  	_ =	shalt  }
0x5e: {  	_ =	shalt  }
0x5f: {  	_ =	shalt  }
0x60: {  	_ =	shalt  }
0x61: {  	_ =	shalt  }
0x62: {  	_ =	shalt  }
0x63: {  	_ =	shalt  }
0x64: {  	_ =	shalt  }
0x65: {  	_ =	shalt  }
0x66: {  	_ =	shalt  }
0x67: {  	_ =	shalt  }
0x68: {  	_ =	shalt  }
0x69: {  	_ =	shalt  }
0x6a: {  	_ =	shalt  }
0x6b: {  	_ =	shalt  }
0x6c: {  	_ =	shalt  }
0x6d: {  	_ =	shalt  }
0x6e: {  	_ =	shalt  }
0x6f: {  	_ =	shalt  }
0x70: {  	_ =	shalt  }
0x71: {  	_ =	shalt  }
0x72: {  	_ =	shalt  }
0x73: {  	_ =	shalt  }
0x74: {  	_ =	shalt  }
0x75: {  	_ =	shalt  }
0x76: {  	_ =	shalt  }
0x77: {  	_ =	shalt  }
0x78: {  	_ =	shalt  }
0x79: {  	_ =	shalt  }
0x7a: {  	_ =	shalt  }
0x7b: {  	_ =	shalt  }
0x7c: {  	_ =	shalt  }
0x7d: {  	_ =	shalt  }
0x7e: {  	_ =	shalt  }
0x7f: {  	_ =	shalt  }
0x80: {  	_ =	shalt  }
0x81: {  	_ =	shalt  }
0x82: {  	_ =	shalt  }
0x83: {  	_ =	shalt  }
0x84: {  	_ =	shalt  }
0x85: {  	_ =	shalt  }
0x86: {  	_ =	shalt  }
0x87: {  	_ =	shalt  }
.Lfunc_end0:
.L_simem_size_0:
called_computation_lowered:
.L_overlay_start_0:
0x88: {  	s2 =	sld [smem:$0x3FD9]  }
0x89: {  	s3 =	sld [smem:$0x3FFE];
	_ =	sdelay $0x1  }
0x8a: {  	s1 =	srdreg.scid  }
0x8b: {  	s0 =	sand.u32 $0x1, s1  }
0x8c: {  	s14 =	sshll.u32 s0, $0xA;
	s2 =	sadd.s32 s3, s2  }
0x8d: {  	s2 =	sadd.s32 s2, s14  }
0x8e: {  	[smem:$0x3FC7] =	sst s2  }
0x8f: {  	_ = 	snop  }
0x90: {  	s2 =	sld [smem:$0x3FD0];
	_ =	sdelay $0x2  }
0x91: {  	s15 =	simm.s32 $0xA;
	s4 =	simm.s32 $0x10  }
0x92: {  	[smem:s4], [sflag:s15] =	dma.local [hbm:s2], $0x1  }
0x93: {  	_ =	swait.eq [sflag:s15], $0x1  }
0x94: {  	[sflag:s15] =	ssyncset.done $0x0  }
0x95: {  	[sflag:s15] =	ssyncadd.s32 $0xFFFFFFFF  }
0x96: {  	s16 =	sld [smem:$0x10];
	(tm) =	ssettm $0x1  }
0x97: {  	s17 =	sld [smem:$0x3FFB];
	_ =	sdelay $0x3  }
0x98: {  	_ =	strace s17  }
0x99: {  	s3 =	sld [smem:$0x3FFC];
	_ =	sdelay $0x3  }
0x9a: {  	_ =	strace s3  }
0x9b: {  	s3 =	sld [smem:$0x3FFD];
	_ =	sdelay $0x3  }
0x9c: {  	_ =	strace s3  }
0x9d: {  	_ =	strace $0x8FFFFFFF  }
0x9e: {  	s18 =	sld [smem:$0x3FDB];
	_ =	sdelay $0x1  }
0x9f: {  	s19 =	simm.s32 $_scs_section_size  }
0xa0: {  	s5 =	simm.s32 $_size__tile_overlayer_lowered;
	s6 =	simm.s32 $_tile_overlayer_lowered  }
0xa1: {  	s22 =	simm.s32 $0x1BFF;
	s21 =	sshll.u32 s6, $0x1;
	s3 =	sadd.s32 s19, s18  }
0xa2: {  	s7 =	simm.s32 $0x0;
	s20 =	sshll.u32 s5, $0x1;
	s5 =	sadd.s32 s21, s3  }
0xa3: {  	[timem:s7], [sflag:s22] =	dma.local [hbm:s5], s20  }
0xa4: {  	_ =	swait.ge [sflag:s22], s20  }
0xa5: {  	s4 =	ssub.s32 $0x0, s20;
	[sflag:s22] =	ssyncset.done $0x0  }
0xa6: {  	[sflag:s22] =	ssyncadd.s32 s4;
	_ =	sdelay $0x1  }
0xa7: {  	s23 =	simm.s32 $0x1B8B  }
0xa8: {  	_ =	swait.ge [sflag:s23], $0x1  }
0xa9: {  	[sflag:s23] =	ssyncset.done $0x0  }
0xaa: {  	s25 =	simm.s32 $0x1B8E;
	s24 =	sld [smem:$0x3FFE];
	[sflag:s23] =	ssyncadd.s32 $0xFFFFFFFF  }
0xab: {  	s26 =	simm.s32 $execute0_lowered;
	[smem:$0x3FD2] =	sst s25  }
0xac: {  	s5 =	sshll.u32 s26, $0x1;
	_ =	strace $0x80000046;
	[dreg:$0x1] =	wrdreg $0xFFFFFFFF  }
0xad: {  	s28 =	simm.s32 $_size_execute0_lowered;
	s3 =	sadd.s32 s3, s5;
	[dreg:$0x0] =	wrdreg $0x0  }
0xae: {  	s5 =	sshll.u32 s28, $0x1;
	[dreg:$0x2] =	wrdreg s3  }
0xaf: {  	[dreg:$0x3] =	wrdreg s5  }
0xb0: {  	[dreg:$0x4] =	wrdreg $0xC0  }
0xb1: {  	_ =	task [dreg:s7], $0x5FFFF  }
0xb2: {  	[dreg:$0x1] =	wrdreg $0xFFFFFFFF  }
0xb3: {  	[dreg:$0x0] =	wrdreg $0x60  }
0xb4: {  	[dreg:$0x2] =	wrdreg s24  }
0xb5: {  	[dreg:$0x3] =	wrdreg s16  }
0xb6: {  	[dreg:$0x4] =	wrdreg $0x9  }
0xb7: {  	_ =	task.clear_ibuf [dreg:s7], $0x5FFFF;
	_ =	strace $0x90000046  }
0xb8: {  	s29 =	simm.s32 $0x9;
	_ =	strace $0x80000048  }
0xb9: {  	_ =	swait.ge [sflag:s29], $0x1  }
0xba: {  	[sflag:s29] =	ssyncadd.s32 $0xFFFFFFFF  }
0xbb: {  	_ =	strace $0x90000048  }
0xbc: {  	_ =	sfence  }
0xbd: {  	s30 =	sld [smem:$0x0];
	_ =	sdelay $0x2  }
0xbe: {  	s31 =	sshll.u32 s1, $0xD;
	s1 =	sshrl.u32 s1, $0x2  }
0xbf: {  	s3 =	sand.u32 $0x4000, s31;
	s1 =	sadd.s32 s1, s30  }
0xc0: {  	s0 =	sor.u32 s3, s0;
	s1 =	sshll.u32 s1, $0x11  }
0xc1: {  	s0 =	sor.u32 s1, s0  }
0xc2: {  	s0 =	sadd.s32 $0x8F2B, s0  }
0xc3: {  	[sflag:s0] =	ssyncadd.remote.s32 $0x1  }
0xc4: {  	_ =	sfence.sel $0xFFFF  }
0xc5: {  	[dreg:$0x0] =	wrdreg $0xFFFFFFFF;
	(pc) =	sbr.abs _section_cstart, $3  }
0xc6: {  	[dreg:$0x1] =	wrdreg $0xFFFFFFFF  }
0xc7: {  	_ =	task.clear_ibuf [dreg:s7], $0x2FFFF;
	_ =	strace $0x9FFFFFFF  }
0xc8: {  	(tm) =	ssettm $0x7FFFFFFF  }
0xc9: {  	_ =	shalt  }
tec
execute0_lowered:
.L_overlay_start_1:
0x0: {  	(tag) =	ssettag $0x1  }
0x1: {  	s4 =	rddreg [dreg:$0x0]  }
0x2: {  	s2 =	rddreg [dreg:$0x1]  }
0x3: {  	s0 =	rddreg [dreg:$0x2];
	s1 =	stileid.u32;
	s3 =	simm.s32 $0x0  }
0x4: {  	s5 =	srdreg.scid;
	s12 =	simm.s32 $0x2000;
	s13 =	simm.s32 $0x19980  }
0x5: {  	s14 =	simm.s32 $0x2;
	s6 =	sshll.u32 s1, $0x1;
	[smem:$0x7FF] =	sst s3  }
0x6: {  	s5 =	sand.u32 $0x1, s5;
	s7 =	sshrl.u32 s1, $0x1;
	s29 =	sand.u32 $0x1, s1  }
0x7: {  	s6 =	sand.u32 $0x2, s6;
	_ =	strace $0x80000047;
	s11 =	smul.u32 $0xFFFF9E58, s5  }
0x8: {  	s8 =	sshll.u32 s7, $0xC;
	s9 =	ssub.s32 $0x2, s5;
	s30 =	smul.u32 $0xC350, s29  }
.Ltmp0:
0x9: {  	s6 =	sor.u32 s5, s6;
	s28 =	sshrl.u32 s9, $0x1;
	(pc) =	sbr.rel .LBB2_1-.Ltmp0, $4  }
0xa: {  	s4 =	sadd.s32 s8, s4;
	s8 =	simm.s32 $0x3;
	s10 =	smul.u32 $0x61A8, s6  }
0xb: {  	s6 =	ssub.s32 s9, s28;
	s4 =	sadd.s32 $0x400, s4;
	s9 =	simm.s32 $0x1  }
0xc: {  	v2 =	vimm.f32 $0.0e+00;
	v3 =	vimm.s32 $0x0;
	v4 =	vimm.s32 $0x7FFF;
	s6 =	smax.u32 s6, $0x1;
	s31 =	sadd.s32 $0x61A8, s10;
	s5 =	sor.u32 s7, s10  }
0xd: {  	v5 =	vimm.f32 $1.000000000e+00;
	s7 =	ssub.s32 s11, s30;
	v0 =	vmov s10;
	s10 =	simm.s32 $0x13580;
	s11 =	simm.s32 $0x400;
	v1 =	vmov s31  }
.LBB2_57:
0xe: {  	s3 =	sadd.s32 $0x1, s3  }
0xf: {  	p0 =	sne.s32 s3, s6  }
.Ltmp1:
0x10: {  	_ = 	snop;
	(pc) =	sbr.rel @!p0 .LBB2_58-.Ltmp1, $1  }
0x11: {  	_ =	sdelay $0x3  }
.LBB2_1:
0x12: {  	s15 =	simm.s32 $0x40;
	s16 =	simm.s32 $0x0  }
.LBB2_2:
0x13: {  	p0 =	sne.s32 s15, $0x18FC0;
	[tilespmem:s16+$0x13580] =	vst v2;
	s17 =	smov.u32 s15;
	s15 =	sadd.s32 $0x40, s15  }
.Ltmp2:
0x14: {  	[tilespmem:s16+$0x19980] =	vst v2;
	(pc) =	sbr.rel @p0 .LBB2_2-.Ltmp2, $2  }
0x15: {  	_ =	sdelay $0x2  }
0x16: {  	s16 =	sshra.s32 s17, $0x2  }
0x17: {  	[tilespmem:s16+$0x13580] =	vst v2;
	s15 =	simm.s32 $0x0  }
0x18: {  	[tilespmem:s16+$0x19980] =	vst v2;
	s16 =	smov.u32 s7;
	s19 =	simm.s32 $0x0;
	s17 =	simm.s32 $0x0  }
.LBB2_4:
0x19: {  	s18 =	sshll.u32 s17, $0x8  }
0x1a: {  	s18 =	sadd.s32 s18, s4  }
0x1b: {  	[tilespmem:s15], [sflag:$0x3] =	stream.linear.gather [hbm4b:s18+s15], $0x800, $0x38;
	[tilespmem:$0x1FD80] =	vst v63  }
0x1c: {  	_ =	swait.ge [sflag:s8], $0x800  }
0x1d: {  	[sflag:s8] =	ssyncset.done $0x0  }
0x1e: {  	[sflag:s8] =	ssyncadd.s32 $0xFFFFF800  }
0x1f: {  	v6 =	vld [tilespmem:s15+$0x0];
	_ =	sdelay $0x4  }
0x20: {  	vm0 =	vge.s32 v6, v0;
	vm1 =	vlt.s32 v6, v1  }
0x21: {  	vm0 =	vmand vm0, vm1  }
0x22: {  	v7 =	vsel vm0, $0x1, v3  }
0x23: {  	(xrf0) =	vadd.scan.msk.s32 $0xffff, v7;
	_ =	sdelay $0x5  }
0x24: {  	v7, _, _ =	vpop (xrf0)  }
0x25: {  	s18 =	sadd.s32 $0x0, s16;
	(v2sf) =	vpush v7, $0xF  }
0x26: {  	v6 =	vadd.s32 s18, v6  }
0x27: {  	[tilespmem:s19+$0x800] =	vst.msk vm0, v6  }
0x28: {  	v6 =	vld [tilespmem:s15+$0x10];
	_ =	sdelay $0x4  }
0x29: {  	vm0 =	vge.s32 v6, v0;
	vm1 =	vlt.s32 v6, v1  }
0x2a: {  	vm0 =	vmand vm0, vm1  }
0x2b: {  	v7 =	vsel vm0, $0x1, v3  }
0x2c: {  	(xrf0) =	vadd.scan.msk.s32 $0xffff, v7;
	_ =	sdelay $0x3  }
0x2d: {  	s20 =	spop (v2sf)  }
0x2e: {  	v6 =	vadd.s32 s18, v6;
	s30 =	sadd.s32 s19, s20  }
0x2f: {  	v7, _, _ =	vpop (xrf0);
	[tilespmem:s30+$0x800] =	vst.msk vm0, v6  }
0x30: {  	(v2sf) =	vpush v7, $0xF;
	v6 =	vld [tilespmem:s15+$0x20];
	_ =	sdelay $0x4  }
0x31: {  	vm0 =	vge.s32 v6, v0;
	vm1 =	vlt.s32 v6, v1  }
0x32: {  	vm0 =	vmand vm0, vm1  }
0x33: {  	v7 =	vsel vm0, $0x1, v3  }
0x34: {  	(xrf0) =	vadd.scan.msk.s32 $0xffff, v7;
	_ =	sdelay $0x5  }
0x35: {  	v7, _, _ =	vpop (xrf0)  }
0x36: {  	s31 =	spop (v2sf);
	(v2sf) =	vpush v7, $0xF  }
0x37: {  	v6 =	vadd.s32 s18, v6;
	s19 =	sadd.s32 s30, s31  }
0x38: {  	[tilespmem:s19+$0x800] =	vst.msk vm0, v6  }
0x39: {  	v6 =	vld [tilespmem:s15+$0x30];
	_ =	sdelay $0x4  }
0x3a: {  	vm0 =	vge.s32 v6, v0;
	vm1 =	vlt.s32 v6, v1  }
0x3b: {  	vm0 =	vmand vm0, vm1  }
0x3c: {  	v7 =	vsel vm0, $0x1, v3  }
0x3d: {  	(xrf0) =	vadd.scan.msk.s32 $0xffff, v7;
	_ =	sdelay $0x3  }
0x3e: {  	s21 =	spop (v2sf)  }
0x3f: {  	v6 =	vadd.s32 s18, v6;
	s19 =	sadd.s32 s19, s21  }
0x40: {  	v7, _, _ =	vpop (xrf0);
	[tilespmem:s19+$0x800] =	vst.msk vm0, v6  }
0x41: {  	(v2sf) =	vpush v7, $0xF;
	v6 =	vld [tilespmem:s15+$0x40];
	_ =	sdelay $0x4  }
0x42: {  	vm0 =	vge.s32 v6, v0;
	vm1 =	vlt.s32 v6, v1  }
0x43: {  	vm0 =	vmand vm0, vm1  }
0x44: {  	v7 =	vsel vm0, $0x1, v3  }
0x45: {  	(xrf0) =	vadd.scan.msk.s32 $0xffff, v7;
	_ =	sdelay $0x5  }
0x46: {  	v7, _, _ =	vpop (xrf0)  }
0x47: {  	s22 =	spop (v2sf);
	(v2sf) =	vpush v7, $0xF  }
0x48: {  	v6 =	vadd.s32 s18, v6;
	s19 =	sadd.s32 s19, s22  }
0x49: {  	[tilespmem:s19+$0x800] =	vst.msk vm0, v6  }
0x4a: {  	v6 =	vld [tilespmem:s15+$0x50];
	_ =	sdelay $0x4  }
0x4b: {  	vm0 =	vge.s32 v6, v0;
	vm1 =	vlt.s32 v6, v1  }
0x4c: {  	vm0 =	vmand vm0, vm1  }
0x4d: {  	v7 =	vsel vm0, $0x1, v3  }
0x4e: {  	(xrf0) =	vadd.scan.msk.s32 $0xffff, v7;
	_ =	sdelay $0x3  }
0x4f: {  	s23 =	spop (v2sf)  }
0x50: {  	v6 =	vadd.s32 s18, v6;
	s19 =	sadd.s32 s19, s23  }
0x51: {  	v7, _, _ =	vpop (xrf0);
	[tilespmem:s19+$0x800] =	vst.msk vm0, v6  }
0x52: {  	(v2sf) =	vpush v7, $0xF;
	v6 =	vld [tilespmem:s15+$0x60];
	_ =	sdelay $0x4  }
0x53: {  	vm0 =	vge.s32 v6, v0;
	vm1 =	vlt.s32 v6, v1  }
0x54: {  	vm0 =	vmand vm0, vm1  }
0x55: {  	v7 =	vsel vm0, $0x1, v3  }
0x56: {  	(xrf0) =	vadd.scan.msk.s32 $0xffff, v7;
	_ =	sdelay $0x5  }
0x57: {  	v7, _, _ =	vpop (xrf0)  }
0x58: {  	s24 =	spop (v2sf);
	(v2sf) =	vpush v7, $0xF  }
0x59: {  	v6 =	vadd.s32 s18, v6;
	s19 =	sadd.s32 s19, s24  }
0x5a: {  	[tilespmem:s19+$0x800] =	vst.msk vm0, v6  }
0x5b: {  	v6 =	vld [tilespmem:s15+$0x70];
	_ =	sdelay $0x4  }
0x5c: {  	vm0 =	vge.s32 v6, v0;
	vm1 =	vlt.s32 v6, v1  }
0x5d: {  	vm0 =	vmand vm0, vm1  }
0x5e: {  	v7 =	vsel vm0, $0x1, v3  }
0x5f: {  	(xrf0) =	vadd.scan.msk.s32 $0xffff, v7;
	_ =	sdelay $0x3  }
0x60: {  	s25 =	spop (v2sf)  }
0x61: {  	v6 =	vadd.s32 s18, v6;
	s19 =	sadd.s32 s19, s25  }
0x62: {  	v7, _, _ =	vpop (xrf0);
	[tilespmem:s19+$0x800] =	vst.msk vm0, v6  }
0x63: {  	(v2sf) =	vpush v7, $0xF;
	v6 =	vld [tilespmem:s15+$0x400];
	_ =	sdelay $0x4  }
0x64: {  	vm0 =	vge.s32 v6, v0;
	vm1 =	vlt.s32 v6, v1  }
0x65: {  	vm0 =	vmand vm0, vm1  }
0x66: {  	v7 =	vsel vm0, $0x1, v3  }
0x67: {  	(xrf0) =	vadd.scan.msk.s32 $0xffff, v7;
	_ =	sdelay $0x5  }
0x68: {  	v7, _, _ =	vpop (xrf0)  }
0x69: {  	s26 =	spop (v2sf);
	(v2sf) =	vpush v7, $0xF  }
0x6a: {  	v6 =	vadd.s32 s18, v6;
	s19 =	sadd.s32 s19, s26  }
0x6b: {  	[tilespmem:s19+$0x800] =	vst.msk vm0, v6  }
0x6c: {  	v6 =	vld [tilespmem:s15+$0x410];
	_ =	sdelay $0x4  }
0x6d: {  	vm0 =	vge.s32 v6, v0;
	vm1 =	vlt.s32 v6, v1  }
0x6e: {  	vm0 =	vmand vm0, vm1  }
0x6f: {  	v7 =	vsel vm0, $0x1, v3  }
0x70: {  	(xrf0) =	vadd.scan.msk.s32 $0xffff, v7;
	_ =	sdelay $0x3  }
0x71: {  	s28 =	spop (v2sf)  }
0x72: {  	v6 =	vadd.s32 s18, v6;
	s19 =	sadd.s32 s19, s28  }
0x73: {  	v7, _, _ =	vpop (xrf0);
	[tilespmem:s19+$0x800] =	vst.msk vm0, v6  }
0x74: {  	(v2sf) =	vpush v7, $0xF;
	v6 =	vld [tilespmem:s15+$0x420];
	_ =	sdelay $0x4  }
0x75: {  	vm0 =	vge.s32 v6, v0;
	vm1 =	vlt.s32 v6, v1  }
0x76: {  	vm0 =	vmand vm0, vm1  }
0x77: {  	v7 =	vsel vm0, $0x1, v3  }
0x78: {  	(xrf0) =	vadd.scan.msk.s32 $0xffff, v7;
	_ =	sdelay $0x5  }
0x79: {  	v7, _, _ =	vpop (xrf0)  }
0x7a: {  	s29 =	spop (v2sf);
	(v2sf) =	vpush v7, $0xF  }
0x7b: {  	v6 =	vadd.s32 s18, v6;
	s19 =	sadd.s32 s19, s29  }
0x7c: {  	[tilespmem:s19+$0x800] =	vst.msk vm0, v6  }
0x7d: {  	v6 =	vld [tilespmem:s15+$0x430];
	_ =	sdelay $0x4  }
0x7e: {  	vm0 =	vge.s32 v6, v0;
	vm1 =	vlt.s32 v6, v1  }
0x7f: {  	vm0 =	vmand vm0, vm1  }
0x80: {  	v7 =	vsel vm0, $0x1, v3  }
0x81: {  	(xrf0) =	vadd.scan.msk.s32 $0xffff, v7;
	_ =	sdelay $0x3  }
0x82: {  	s30 =	spop (v2sf)  }
0x83: {  	v6 =	vadd.s32 s18, v6;
	s19 =	sadd.s32 s19, s30  }
0x84: {  	v7, _, _ =	vpop (xrf0);
	[tilespmem:s19+$0x800] =	vst.msk vm0, v6  }
0x85: {  	(v2sf) =	vpush v7, $0xF;
	v6 =	vld [tilespmem:s15+$0x438];
	_ =	sdelay $0x4  }
0x86: {  	vm0 =	vge.s32 v6, v0;
	vm1 =	vlt.s32 v6, v1  }
0x87: {  	vm0 =	vmand vm0, vm1  }
0x88: {  	v7 =	vsel vm0, $0x1, v3  }
0x89: {  	(xrf0) =	vadd.scan.msk.s32 $0xffff, v7;
	_ =	sdelay $0x5  }
0x8a: {  	v7, _, _ =	vpop (xrf0)  }
0x8b: {  	s31 =	spop (v2sf);
	(v2sf) =	vpush v7, $0xF  }
0x8c: {  	v6 =	vadd.s32 s18, v6;
	s22 =	sadd.s32 s19, s31  }
0x8d: {  	s19 =	simm.s32 $0x80;
	[tilespmem:s22+$0x800] =	vst.msk vm0, v6  }
0x8e: {  	v6 =	vld [tilespmem:s19+$0x0];
	_ =	sdelay $0x4  }
0x8f: {  	vm0 =	vge.s32 v6, v0;
	vm1 =	vlt.s32 v6, v1  }
0x90: {  	vm0 =	vmand vm0, vm1  }
0x91: {  	v7 =	vsel vm0, $0x1, v3  }
0x92: {  	(xrf0) =	vadd.scan.msk.s32 $0xffff, v7;
	_ =	sdelay $0x3  }
0x93: {  	s23 =	simm.s32 $0x10000;
	s18 =	sadd.s32 $0x8000, s16;
	s24 =	spop (v2sf)  }
.LBB2_5:
0x94: {  	s20 =	smov.u32 s23  }
0x95: {  	s21 =	sadd.s32 s23, s16;
	v7, _, _ =	vpop (xrf0);
	s22 =	sadd.s32 s22, s24;
	s20 =	sadd.s32 $0x8000, s23  }
0x96: {  	p0 =	sne.s32 s23, $0x38000;
	v6 =	vadd.s32 s18, v6;
	(v2sf) =	vpush v7, $0xF  }
0x97: {  	[tilespmem:s22+$0x800] =	vst.msk vm0, v6  }
0x98: {  	v6 =	vld [tilespmem:s19+$0x10];
	_ =	sdelay $0x4  }
0x99: {  	vm0 =	vge.s32 v6, v0;
	vm1 =	vlt.s32 v6, v1  }
0x9a: {  	vm0 =	vmand vm0, vm1  }
0x9b: {  	v7 =	vsel vm0, $0x1, v3  }
0x9c: {  	(xrf0) =	vadd.scan.msk.s32 $0xffff, v7;
	_ =	sdelay $0x4  }
0x9d: {  	s23 =	spop (v2sf)  }
0x9e: {  	v6 =	vadd.s32 s18, v6;
	s22 =	sadd.s32 s22, s23;
	v7, _, _ =	vpop (xrf0)  }
0x9f: {  	[tilespmem:s22+$0x800] =	vst.msk vm0, v6;
	(v2sf) =	vpush v7, $0xF  }
0xa0: {  	v6 =	vld [tilespmem:s19+$0x20];
	_ =	sdelay $0x4  }
0xa1: {  	vm0 =	vge.s32 v6, v0;
	vm1 =	vlt.s32 v6, v1  }
0xa2: {  	vm0 =	vmand vm0, vm1  }
0xa3: {  	v7 =	vsel vm0, $0x1, v3  }
0xa4: {  	(xrf0) =	vadd.scan.msk.s32 $0xffff, v7;
	_ =	sdelay $0x5  }
0xa5: {  	s23 =	spop (v2sf);
	v7, _, _ =	vpop (xrf0)  }
0xa6: {  	v6 =	vadd.s32 s18, v6;
	s22 =	sadd.s32 s22, s23;
	(v2sf) =	vpush v7, $0xF  }
0xa7: {  	[tilespmem:s22+$0x800] =	vst.msk vm0, v6  }
0xa8: {  	v6 =	vld [tilespmem:s19+$0x30];
	_ =	sdelay $0x4  }
0xa9: {  	vm0 =	vge.s32 v6, v0;
	vm1 =	vlt.s32 v6, v1  }
0xaa: {  	vm0 =	vmand vm0, vm1  }
0xab: {  	v7 =	vsel vm0, $0x1, v3  }
0xac: {  	(xrf0) =	vadd.scan.msk.s32 $0xffff, v7;
	_ =	sdelay $0x4  }
0xad: {  	s23 =	spop (v2sf)  }
0xae: {  	v6 =	vadd.s32 s18, v6;
	s22 =	sadd.s32 s22, s23;
	v7, _, _ =	vpop (xrf0)  }
0xaf: {  	[tilespmem:s22+$0x800] =	vst.msk vm0, v6;
	(v2sf) =	vpush v7, $0xF  }
0xb0: {  	v6 =	vld [tilespmem:s19+$0x40];
	_ =	sdelay $0x4  }
0xb1: {  	vm0 =	vge.s32 v6, v0;
	vm1 =	vlt.s32 v6, v1  }
0xb2: {  	vm0 =	vmand vm0, vm1  }
0xb3: {  	v7 =	vsel vm0, $0x1, v3  }
0xb4: {  	(xrf0) =	vadd.scan.msk.s32 $0xffff, v7;
	_ =	sdelay $0x5  }
0xb5: {  	s23 =	spop (v2sf);
	v7, _, _ =	vpop (xrf0)  }
0xb6: {  	v6 =	vadd.s32 s18, v6;
	s22 =	sadd.s32 s22, s23;
	(v2sf) =	vpush v7, $0xF  }
0xb7: {  	[tilespmem:s22+$0x800] =	vst.msk vm0, v6  }
0xb8: {  	v6 =	vld [tilespmem:s19+$0x50];
	_ =	sdelay $0x4  }
0xb9: {  	vm0 =	vge.s32 v6, v0;
	vm1 =	vlt.s32 v6, v1  }
0xba: {  	vm0 =	vmand vm0, vm1  }
0xbb: {  	v7 =	vsel vm0, $0x1, v3  }
0xbc: {  	(xrf0) =	vadd.scan.msk.s32 $0xffff, v7;
	_ =	sdelay $0x4  }
0xbd: {  	s23 =	spop (v2sf)  }
0xbe: {  	v6 =	vadd.s32 s18, v6;
	s22 =	sadd.s32 s22, s23;
	v7, _, _ =	vpop (xrf0)  }
0xbf: {  	[tilespmem:s22+$0x800] =	vst.msk vm0, v6;
	(v2sf) =	vpush v7, $0xF  }
0xc0: {  	v6 =	vld [tilespmem:s19+$0x60];
	_ =	sdelay $0x4  }
0xc1: {  	vm0 =	vge.s32 v6, v0;
	vm1 =	vlt.s32 v6, v1  }
0xc2: {  	vm0 =	vmand vm0, vm1  }
0xc3: {  	v7 =	vsel vm0, $0x1, v3  }
0xc4: {  	(xrf0) =	vadd.scan.msk.s32 $0xffff, v7;
	_ =	sdelay $0x5  }
0xc5: {  	s23 =	spop (v2sf);
	v7, _, _ =	vpop (xrf0)  }
0xc6: {  	v6 =	vadd.s32 s18, v6;
	s22 =	sadd.s32 s22, s23;
	(v2sf) =	vpush v7, $0xF  }
0xc7: {  	[tilespmem:s22+$0x800] =	vst.msk vm0, v6  }
0xc8: {  	v6 =	vld [tilespmem:s19+$0x70];
	_ =	sdelay $0x4  }
0xc9: {  	vm0 =	vge.s32 v6, v0;
	vm1 =	vlt.s32 v6, v1  }
0xca: {  	vm0 =	vmand vm0, vm1  }
0xcb: {  	v7 =	vsel vm0, $0x1, v3  }
0xcc: {  	(xrf0) =	vadd.scan.msk.s32 $0xffff, v7;
	_ =	sdelay $0x4  }
0xcd: {  	s23 =	spop (v2sf)  }
0xce: {  	v6 =	vadd.s32 s18, v6;
	s22 =	sadd.s32 s22, s23;
	v7, _, _ =	vpop (xrf0)  }
0xcf: {  	[tilespmem:s22+$0x800] =	vst.msk vm0, v6;
	(v2sf) =	vpush v7, $0xF  }
0xd0: {  	v6 =	vld [tilespmem:s19+$0x400];
	_ =	sdelay $0x4  }
0xd1: {  	vm0 =	vge.s32 v6, v0;
	vm1 =	vlt.s32 v6, v1  }
0xd2: {  	vm0 =	vmand vm0, vm1  }
0xd3: {  	v7 =	vsel vm0, $0x1, v3  }
0xd4: {  	(xrf0) =	vadd.scan.msk.s32 $0xffff, v7;
	_ =	sdelay $0x5  }
0xd5: {  	s23 =	spop (v2sf);
	v7, _, _ =	vpop (xrf0)  }
0xd6: {  	v6 =	vadd.s32 s18, v6;
	s22 =	sadd.s32 s22, s23;
	(v2sf) =	vpush v7, $0xF  }
0xd7: {  	[tilespmem:s22+$0x800] =	vst.msk vm0, v6  }
0xd8: {  	v6 =	vld [tilespmem:s19+$0x410];
	_ =	sdelay $0x4  }
0xd9: {  	vm0 =	vge.s32 v6, v0;
	vm1 =	vlt.s32 v6, v1  }
0xda: {  	vm0 =	vmand vm0, vm1  }
0xdb: {  	v7 =	vsel vm0, $0x1, v3  }
0xdc: {  	(xrf0) =	vadd.scan.msk.s32 $0xffff, v7;
	_ =	sdelay $0x4  }
0xdd: {  	s23 =	spop (v2sf)  }
0xde: {  	v6 =	vadd.s32 s18, v6;
	s22 =	sadd.s32 s22, s23;
	v7, _, _ =	vpop (xrf0)  }
0xdf: {  	[tilespmem:s22+$0x800] =	vst.msk vm0, v6;
	(v2sf) =	vpush v7, $0xF  }
0xe0: {  	v6 =	vld [tilespmem:s19+$0x420];
	_ =	sdelay $0x4  }
0xe1: {  	vm0 =	vge.s32 v6, v0;
	vm1 =	vlt.s32 v6, v1  }
0xe2: {  	vm0 =	vmand vm0, vm1  }
0xe3: {  	v7 =	vsel vm0, $0x1, v3  }
0xe4: {  	(xrf0) =	vadd.scan.msk.s32 $0xffff, v7;
	_ =	sdelay $0x5  }
0xe5: {  	s23 =	spop (v2sf);
	v7, _, _ =	vpop (xrf0)  }
0xe6: {  	v6 =	vadd.s32 s18, v6;
	s22 =	sadd.s32 s22, s23;
	(v2sf) =	vpush v7, $0xF  }
0xe7: {  	[tilespmem:s22+$0x800] =	vst.msk vm0, v6  }
0xe8: {  	v6 =	vld [tilespmem:s19+$0x430];
	_ =	sdelay $0x4  }
0xe9: {  	vm0 =	vge.s32 v6, v0;
	vm1 =	vlt.s32 v6, v1  }
0xea: {  	vm0 =	vmand vm0, vm1  }
0xeb: {  	v7 =	vsel vm0, $0x1, v3  }
0xec: {  	(xrf0) =	vadd.scan.msk.s32 $0xffff, v7;
	_ =	sdelay $0x4  }
0xed: {  	s23 =	spop (v2sf)  }
0xee: {  	v6 =	vadd.s32 s18, v6;
	s22 =	sadd.s32 s22, s23;
	v7, _, _ =	vpop (xrf0)  }
0xef: {  	[tilespmem:s22+$0x800] =	vst.msk vm0, v6;
	(v2sf) =	vpush v7, $0xF  }
0xf0: {  	v6 =	vld [tilespmem:s19+$0x438];
	_ =	sdelay $0x4  }
0xf1: {  	vm0 =	vge.s32 v6, v0;
	vm1 =	vlt.s32 v6, v1  }
0xf2: {  	vm0 =	vmand vm0, vm1  }
0xf3: {  	v7 =	vsel vm0, $0x1, v3  }
0xf4: {  	(xrf0) =	vadd.scan.msk.s32 $0xffff, v7;
	_ =	sdelay $0x5  }
0xf5: {  	s23 =	spop (v2sf);
	v7, _, _ =	vpop (xrf0)  }
0xf6: {  	v6 =	vadd.s32 s18, v6;
	s18 =	smov.u32 s21;
	s22 =	sadd.s32 s22, s23;
	(v2sf) =	vpush v7, $0xF  }
0xf7: {  	s19 =	sadd.s32 $0x80, s19;
	[tilespmem:s22+$0x800] =	vst.msk vm0, v6  }
0xf8: {  	v6 =	vld [tilespmem:s19+$0x0];
	_ =	sdelay $0x4  }
0xf9: {  	vm0 =	vge.s32 v6, v0;
	vm1 =	vlt.s32 v6, v1  }
0xfa: {  	vm0 =	vmand vm0, vm1  }
0xfb: {  	v7 =	vsel vm0, $0x1, v3  }
0xfc: {  	(xrf0) =	vadd.scan.msk.s32 $0xffff, v7  }
.Ltmp3:
0xfd: {  	(pc) =	sbr.rel @p0 .LBB2_5-.Ltmp3, $2  }
0xfe: {  	_ =	sdelay $0x2  }
0xff: {  	s23 =	smov.u32 s20;
	s24 =	spop (v2sf)  }
0x100: {  	v7, _, _ =	vpop (xrf0)  }
0x101: {  	(v2sf) =	vpush v7, $0xF;
	_ =	sdelay $0x7  }
0x102: {  	s20 =	sadd.s32 s22, s24;
	v6 =	vadd.s32 s18, v6  }
0x103: {  	[tilespmem:s20+$0x800] =	vst.msk vm0, v6  }
0x104: {  	v6 =	vld [tilespmem:s19+$0x10];
	_ =	sdelay $0x4  }
0x105: {  	vm6 =	vge.s32 v6, v0;
	vm1 =	vlt.s32 v6, v1;
	s21 =	spop (v2sf)  }
0x106: {  	v6 =	vadd.s32 s18, v6;
	vm0 =	vmand vm6, vm1;
	s20 =	sadd.s32 s20, s21  }
0x107: {  	v7 =	vsel vm0, $0x1, v3;
	[tilespmem:s20+$0x800] =	vst.msk vm0, v6  }
0x108: {  	(xrf0) =	vadd.scan.msk.s32 $0xffff, v7;
	v6 =	vld [tilespmem:s19+$0x20];
	_ =	sdelay $0x4  }
0x109: {  	vm7 =	vge.s32 v6, v0;
	vm8 =	vlt.s32 v6, v1  }
0x10a: {  	v7, _, _ =	vpop (xrf0);
	vm0 =	vmand vm7, vm8  }
0x10b: {  	(v2sf) =	vpush v7, $0xF;
	v7 =	vsel vm0, $0x1, v3  }
0x10c: {  	(xrf0) =	vadd.scan.msk.s32 $0xffff, v7;
	_ =	sdelay $0x5  }
0x10d: {  	v7, _, _ =	vpop (xrf0)  }
0x10e: {  	(v2sf) =	vpush v7, $0xF;
	_ =	sdelay $0x6  }
0x10f: {  	s29 =	spop (v2sf)  }
0x110: {  	v6 =	vadd.s32 s18, v6;
	s20 =	sadd.s32 s20, s29  }
0x111: {  	[tilespmem:s20+$0x800] =	vst.msk vm0, v6  }
0x112: {  	v6 =	vld [tilespmem:s19+$0x30];
	_ =	sdelay $0x4  }
0x113: {  	vm9 =	vge.s32 v6, v0;
	vm10 =	vlt.s32 v6, v1;
	s30 =	spop (v2sf)  }
0x114: {  	v6 =	vadd.s32 s18, v6;
	vm0 =	vmand vm9, vm10;
	s20 =	sadd.s32 s20, s30  }
0x115: {  	v7 =	vsel vm0, $0x1, v3;
	[tilespmem:s20+$0x800] =	vst.msk vm0, v6  }
0x116: {  	(xrf0) =	vadd.scan.msk.s32 $0xffff, v7;
	v6 =	vld [tilespmem:s19+$0x40];
	_ =	sdelay $0x4  }
0x117: {  	vm11 =	vge.s32 v6, v0;
	vm12 =	vlt.s32 v6, v1  }
0x118: {  	v7, _, _ =	vpop (xrf0);
	vm0 =	vmand vm11, vm12  }
0x119: {  	(v2sf) =	vpush v7, $0xF;
	v7 =	vsel vm0, $0x1, v3  }
0x11a: {  	(xrf0) =	vadd.scan.msk.s32 $0xffff, v7;
	_ =	sdelay $0x5  }
0x11b: {  	v7, _, _ =	vpop (xrf0)  }
0x11c: {  	(v2sf) =	vpush v7, $0xF;
	_ =	sdelay $0x6  }
0x11d: {  	s31 =	spop (v2sf)  }
0x11e: {  	v6 =	vadd.s32 s18, v6;
	s20 =	sadd.s32 s20, s31  }
0x11f: {  	[tilespmem:s20+$0x800] =	vst.msk vm0, v6  }
0x120: {  	v6 =	vld [tilespmem:s19+$0x50];
	_ =	sdelay $0x4  }
0x121: {  	vm13 =	vge.s32 v6, v0;
	vm14 =	vlt.s32 v6, v1;
	s22 =	spop (v2sf)  }
0x122: {  	v6 =	vadd.s32 s18, v6;
	vm0 =	vmand vm13, vm14;
	s20 =	sadd.s32 s20, s22  }
0x123: {  	v7 =	vsel vm0, $0x1, v3;
	[tilespmem:s20+$0x800] =	vst.msk vm0, v6  }
0x124: {  	(xrf0) =	vadd.scan.msk.s32 $0xffff, v7;
	v6 =	vld [tilespmem:s19+$0x60];
	_ =	sdelay $0x4  }
0x125: {  	vm15 =	vge.s32 v6, v0;
	vm4 =	vlt.s32 v6, v1  }
0x126: {  	v7, _, _ =	vpop (xrf0);
	vm0 =	vmand vm15, vm4  }
0x127: {  	(v2sf) =	vpush v7, $0xF;
	v7 =	vsel vm0, $0x1, v3  }
0x128: {  	(xrf0) =	vadd.scan.msk.s32 $0xffff, v7;
	_ =	sdelay $0x5  }
0x129: {  	v7, _, _ =	vpop (xrf0)  }
0x12a: {  	(v2sf) =	vpush v7, $0xF;
	_ =	sdelay $0x6  }
0x12b: {  	s23 =	spop (v2sf)  }
0x12c: {  	v6 =	vadd.s32 s18, v6;
	s20 =	sadd.s32 s20, s23  }
0x12d: {  	[tilespmem:s20+$0x800] =	vst.msk vm0, v6  }
0x12e: {  	v6 =	vld [tilespmem:s19+$0x70];
	_ =	sdelay $0x4  }
0x12f: {  	vm5 =	vge.s32 v6, v0;
	vm6 =	vlt.s32 v6, v1;
	s24 =	spop (v2sf)  }
0x130: {  	v6 =	vadd.s32 s18, v6;
	vm0 =	vmand vm5, vm6;
	s20 =	sadd.s32 s20, s24  }
0x131: {  	v7 =	vsel vm0, $0x1, v3;
	[tilespmem:s20+$0x800] =	vst.msk vm0, v6  }
0x132: {  	(xrf0) =	vadd.scan.msk.s32 $0xffff, v7;
	v6 =	vld [tilespmem:s19+$0x400];
	_ =	sdelay $0x4  }
0x133: {  	vm7 =	vge.s32 v6, v0;
	vm8 =	vlt.s32 v6, v1  }
0x134: {  	v7, _, _ =	vpop (xrf0);
	vm0 =	vmand vm7, vm8  }
0x135: {  	(v2sf) =	vpush v7, $0xF;
	v7 =	vsel vm0, $0x1, v3  }
0x136: {  	(xrf0) =	vadd.scan.msk.s32 $0xffff, v7;
	_ =	sdelay $0x5  }
0x137: {  	v7, _, _ =	vpop (xrf0)  }
0x138: {  	(v2sf) =	vpush v7, $0xF;
	_ =	sdelay $0x6  }
0x139: {  	s25 =	spop (v2sf)  }
0x13a: {  	v6 =	vadd.s32 s18, v6;
	s20 =	sadd.s32 s20, s25  }
0x13b: {  	[tilespmem:s20+$0x800] =	vst.msk vm0, v6  }
0x13c: {  	v6 =	vld [tilespmem:s19+$0x410];
	_ =	sdelay $0x4  }
0x13d: {  	vm9 =	vge.s32 v6, v0;
	vm10 =	vlt.s32 v6, v1;
	s26 =	spop (v2sf)  }
0x13e: {  	v6 =	vadd.s32 s18, v6;
	vm0 =	vmand vm9, vm10;
	s20 =	sadd.s32 s20, s26  }
0x13f: {  	v7 =	vsel vm0, $0x1, v3;
	[tilespmem:s20+$0x800] =	vst.msk vm0, v6  }
0x140: {  	(xrf0) =	vadd.scan.msk.s32 $0xffff, v7;
	v6 =	vld [tilespmem:s19+$0x420];
	_ =	sdelay $0x4  }
0x141: {  	vm11 =	vge.s32 v6, v0;
	vm12 =	vlt.s32 v6, v1  }
0x142: {  	v7, _, _ =	vpop (xrf0);
	vm0 =	vmand vm11, vm12  }
0x143: {  	(v2sf) =	vpush v7, $0xF;
	v7 =	vsel vm0, $0x1, v3  }
0x144: {  	(xrf0) =	vadd.scan.msk.s32 $0xffff, v7;
	_ =	sdelay $0x5  }
0x145: {  	v7, _, _ =	vpop (xrf0)  }
0x146: {  	(v2sf) =	vpush v7, $0xF;
	_ =	sdelay $0x6  }
0x147: {  	s28 =	spop (v2sf)  }
0x148: {  	v6 =	vadd.s32 s18, v6;
	s20 =	sadd.s32 s20, s28  }
0x149: {  	[tilespmem:s20+$0x800] =	vst.msk vm0, v6  }
0x14a: {  	v6 =	vld [tilespmem:s19+$0x430];
	_ =	sdelay $0x4  }
0x14b: {  	vm13 =	vge.s32 v6, v0;
	vm14 =	vlt.s32 v6, v1;
	s29 =	spop (v2sf)  }
0x14c: {  	v6 =	vadd.s32 s18, v6;
	vm0 =	vmand vm13, vm14;
	s20 =	sadd.s32 s20, s29  }
0x14d: {  	[tilespmem:s20+$0x800] =	vst.msk vm0, v6  }
0x14e: {  	v6 =	vld [tilespmem:s19+$0x438];
	_ =	sdelay $0x4  }
0x14f: {  	vm15 =	vge.s32 v6, v0;
	vm2 =	vlt.s32 v6, v1  }
0x150: {  	v7 =	vsel vm0, $0x1, v3;
	vm1 =	vmand vm15, vm2  }
0x151: {  	(xrf0) =	vadd.scan.msk.s32 $0xffff, v7;
	v7 =	vsel vm1, $0x1, v3  }
0x152: {  	(xrf0) =	vadd.scan.msk.s32 $0xffff, v7;
	_ =	sdelay $0x4  }
0x153: {  	v7, _, _ =	vpop (xrf0)  }
0x154: {  	(v2sf) =	vpush v7, $0xF;
	v7, _, _ =	vpop (xrf0)  }
0x155: {  	(v2sf) =	vpush v7, $0xF;
	_ =	sdelay $0x9  }
0x156: {  	s17 =	sadd.s32 $0x1, s17  }
0x157: {  	p0 =	sne.s32 s17, $0x10  }
.Ltmp4:
0x158: {  	_ = 	snop;
	(pc) =	sbr.rel @p0 .LBB2_4-.Ltmp4, $4  }
0x159: {  	_ = 	snop  }
0x15a: {  	s30 =	spop (v2sf)  }
0x15b: {  	v6 =	vadd.s32 s18, v6;
	s19 =	sadd.s32 s20, s30;
	s31 =	spop (v2sf)  }
0x15c: {  	s16 =	sadd.s32 $0x40000, s16;
	[tilespmem:s19+$0x800] =	vst.msk vm1, v6;
	s19 =	sadd.s32 s19, s31  }
0x15d: {  	s15 =	sadd.s32 $0xF, s19  }
0x15e: {  	s16 =	sand.u32 $0xF, s15  }
0x15f: {  	s31 =	sshra.s32 s15, $0x1F;
	p1 =	slt.s32 s15, $0x1;
	p0 =	sne.s32 s16, $0x0  }
.Ltmp5:
0x160: {  	s16 =	sshrl.u32 s31, $0x1C;
	p0 =	por !p1, !p0;
	(pc) =	sbr.rel .LBB2_8-.Ltmp5, $4  }
0x161: {  	s15 =	sadd.s32 s16, s15;
	s16 =	simm.s32 $0x1;
	p0 =	por !p0, !p0  }
0x162: {  	s15 =	sshra.s32 s15, $0x4;
	s16 =	simm.s32 @!p0 $0x0  }
0x163: {  	s15 =	ssub.s32 s15, s16  }
0x164: {  	[tilespmem:s19+$0x800] =	vst v4;
	s16 =	simm.s32 $0x0;
	p0 =	slt.s32 s15, $0x1  }
.LBB2_56:
0x165: {  	s16 =	sadd.s32 $0x1, s16  }
0x166: {  	p1 =	sne.s32 s16, $0x5  }
.Ltmp6:
0x167: {  	_ = 	snop;
	(pc) =	sbr.rel @!p1 .LBB2_57-.Ltmp6, $1  }
0x168: {  	_ =	sdelay $0x3  }
.LBB2_8:
.Ltmp7:
0x169: {  	(pc) =	sbr.rel @p0 .LBB2_15-.Ltmp7, $2  }
0x16a: {  	_ =	sdelay $0x2  }
0x16b: {  	s17 =	smul.u32 $0x1388, s16;
	s19 =	simm.s32 $0x0  }
0x16c: {  	p2 =	sne.s32 s15, $0x1  }
.Ltmp8:
0x16d: {  	_ = 	snop;
	(pc) =	sbr.rel @!p2 .LBB2_10-.Ltmp8, $3  }
0x16e: {  	_ =	sdelay $0x1  }
0x16f: {  	s19 =	simm.s32 $0x800;
	s18 =	sadd.s32 $0x1388, s17  }
0x170: {  	p1 =	por $0x0, $0x0;
	v7 =	vmov s17;
	v6 =	vld [tilespmem:s19+$0x0];
	s19 =	sadd.s32 $0xFFFFFFFF, s15;
	v8 =	vmov s18;
	s18 =	simm.s32 $0x0  }
0x171: {  	_ =	sdelay $0x3  }
0x172: {  	v9 =	vand.u32 $0x7FFF, v6  }
0x173: {  	vm0 =	vge.u32 v9, v7;
	vm1 =	vlt.u32 v9, v8  }
0x174: {  	vm0 =	vmand vm0, vm1  }
0x175: {  	v9 =	vsel vm0, $0x1, v3  }
0x176: {  	(xrf0) =	vadd.scan.msk.s32 $0xffff, v9;
	_ =	sdelay $0x2  }
0x177: {  	p2 =	sne.s32 s19, $0x1  }
.Ltmp9:
0x178: {  	_ = 	snop;
	(pc) =	sbr.rel @!p2 .LBB2_12-.Ltmp9, $4  }
0x179: {  	_ = 	snop  }
0x17a: {  	v9, _, _ =	vpop (xrf0)  }
0x17b: {  	s20 =	simm.s32 $0x810;
	[tilespmem:s18+$0x6C80] =	vst.msk vm0, v6;
	(v2sf) =	vpush v9, $0xF  }
0x17c: {  	s21 =	sadd.s32 $0xFFFFFFFF, s19;
	p1 =	por $0x1, $0x1;
	s19 =	simm.s32 $0x0;
	v6 =	vld [tilespmem:s20+$0x0]  }
.LBB2_13:
0x17d: {  	p2 =	sne.s32 s21, $0x1;
	_ =	sdelay $0x3  }
0x17e: {  	v9 =	vand.u32 $0x7FFF, v6  }
0x17f: {  	vm0 =	vge.u32 v9, v7;
	vm1 =	vlt.u32 v9, v8  }
0x180: {  	vm0 =	vmand vm0, vm1  }
0x181: {  	v9 =	vsel vm0, $0x1, v3  }
0x182: {  	(xrf0) =	vadd.scan.msk.s32 $0xffff, v9;
	_ =	sdelay $0x3  }
.Ltmp10:
0x183: {  	(pc) =	sbr.rel @p2 .LBB2_13-.Ltmp10, $4  }
0x184: {  	s22 =	spop (v2sf)  }
0x185: {  	v9, _, _ =	vpop (xrf0);
	s19 =	sadd.s32 s19, s22  }
0x186: {  	s20 =	sadd.s32 $0x10, s20;
	[tilespmem:s19+$0x6C80] =	vst.msk vm0, v6;
	(v2sf) =	vpush v9, $0xF  }
0x187: {  	s21 =	sadd.s32 $0xFFFFFFFF, s21;
	v6 =	vld [tilespmem:s20+$0x0]  }
.LBB2_14:
0x188: {  	_ =	sdelay $0x3  }
0x189: {  	v9 =	vand.u32 $0x7FFF, v6  }
0x18a: {  	vm0 =	vge.u32 v9, v7;
	vm1 =	vlt.u32 v9, v8  }
0x18b: {  	vm0 =	vmand vm0, vm1  }
0x18c: {  	v7 =	vsel vm0, $0x1, v3  }
0x18d: {  	(xrf0) =	vadd.scan.msk.s32 $0xffff, v7;
	_ =	sdelay $0x5  }
0x18e: {  	v7, _, _ =	vpop (xrf0)  }
0x18f: {  	(v2sf) =	vpush v7, $0xF;
	_ =	sdelay $0xc  }
0x190: {  	s20 =	spop @p1 (v2sf)  }
0x191: {  	s19 =	sadd.s32 @p1 s19, s20  }
0x192: {  	s18 =	smov.u32 @p1 s19;
	s31 =	spop (v2sf)  }
0x193: {  	[tilespmem:s18+$0x6C80] =	vst.msk vm0, v6;
	s19 =	sadd.s32 s18, s31  }
.LBB2_15:
0x194: {  	s18 =	sadd.s32 $0xF, s19  }
0x195: {  	s20 =	sand.u32 $0xF, s18  }
0x196: {  	s31 =	sshra.s32 s18, $0x1F;
	p2 =	slt.s32 s18, $0x1;
	p1 =	sne.s32 s20, $0x0  }
.Ltmp11:
0x197: {  	s20 =	sshrl.u32 s31, $0x1C;
	p1 =	por !p2, !p1;
	(pc) =	sbr.rel .LBB2_16-.Ltmp11, $4  }
0x198: {  	s18 =	sadd.s32 s20, s18;
	s20 =	simm.s32 $0x1;
	p1 =	por !p1, !p1  }
0x199: {  	s18 =	sshra.s32 s18, $0x4;
	s20 =	simm.s32 @!p1 $0x0  }
0x19a: {  	s18 =	ssub.s32 s18, s20  }
0x19b: {  	[tilespmem:s19+$0x6C80] =	vst v4;
	s19 =	simm.s32 $0x0;
	p1 =	slt.s32 s18, $0x1  }
.LBB2_59:
0x19c: {  	_ =	swait.ge [sflag:s9], $0x6400  }
0x19d: {  	[sflag:s9] =	ssyncset.done $0x0  }
0x19e: {  	[sflag:s9] =	ssyncadd.s32 $0xFFFF9C00  }
.LBB2_55:
0x19f: {  	s19 =	sadd.s32 $0x1, s19  }
0x1a0: {  	p2 =	sne.s32 s19, $0x5  }
.Ltmp12:
0x1a1: {  	_ = 	snop;
	(pc) =	sbr.rel @!p2 .LBB2_56-.Ltmp12, $1  }
0x1a2: {  	_ =	sdelay $0x3  }
.LBB2_16:
.Ltmp13:
0x1a3: {  	(pc) =	sbr.rel @p1 .LBB2_23-.Ltmp13, $3  }
0x1a4: {  	_ = 	snop  }
0x1a5: {  	s20 =	smul.u32 $0x3E8, s19;
	_ =	sdelay $0x1  }
0x1a6: {  	s22 =	simm.s32 $0x0;
	s20 =	sadd.s32 s17, s20  }
0x1a7: {  	p3 =	sne.s32 s18, $0x1  }
.Ltmp14:
0x1a8: {  	_ = 	snop;
	(pc) =	sbr.rel @!p3 .LBB2_18-.Ltmp14, $3  }
0x1a9: {  	_ =	sdelay $0x1  }
0x1aa: {  	s21 =	sadd.s32 $0x3E8, s20;
	s22 =	simm.s32 $0x6C80  }
0x1ab: {  	v7 =	vmov s20;
	p2 =	por $0x0, $0x0;
	v8 =	vmov s21;
	s21 =	simm.s32 $0x0;
	v6 =	vld [tilespmem:s22+$0x0];
	s22 =	sadd.s32 $0xFFFFFFFF, s18  }
0x1ac: {  	_ =	sdelay $0x3  }
0x1ad: {  	v9 =	vand.u32 $0x7FFF, v6  }
0x1ae: {  	vm0 =	vge.u32 v9, v7;
	vm1 =	vlt.u32 v9, v8  }
0x1af: {  	vm0 =	vmand vm0, vm1  }
0x1b0: {  	v9 =	vsel vm0, $0x1, v3  }
0x1b1: {  	(xrf0) =	vadd.scan.msk.s32 $0xffff, v9;
	_ =	sdelay $0x2  }
0x1b2: {  	p3 =	sne.s32 s22, $0x1  }
.Ltmp15:
0x1b3: {  	_ = 	snop;
	(pc) =	sbr.rel @!p3 .LBB2_20-.Ltmp15, $4  }
0x1b4: {  	_ = 	snop  }
0x1b5: {  	v9, _, _ =	vpop (xrf0)  }
0x1b6: {  	s23 =	simm.s32 $0x6C90;
	[tilespmem:s21+$0xD100] =	vst.msk vm0, v6;
	(v2sf) =	vpush v9, $0xF  }
0x1b7: {  	s24 =	sadd.s32 $0xFFFFFFFF, s22;
	p2 =	por $0x1, $0x1;
	s22 =	simm.s32 $0x0;
	v6 =	vld [tilespmem:s23+$0x0]  }
.LBB2_21:
0x1b8: {  	p3 =	sne.s32 s24, $0x1;
	_ =	sdelay $0x3  }
0x1b9: {  	v9 =	vand.u32 $0x7FFF, v6  }
0x1ba: {  	vm0 =	vge.u32 v9, v7;
	vm1 =	vlt.u32 v9, v8  }
0x1bb: {  	vm0 =	vmand vm0, vm1  }
0x1bc: {  	v9 =	vsel vm0, $0x1, v3  }
0x1bd: {  	(xrf0) =	vadd.scan.msk.s32 $0xffff, v9;
	_ =	sdelay $0x3  }
.Ltmp16:
0x1be: {  	(pc) =	sbr.rel @p3 .LBB2_21-.Ltmp16, $4  }
0x1bf: {  	s25 =	spop (v2sf)  }
0x1c0: {  	v9, _, _ =	vpop (xrf0);
	s22 =	sadd.s32 s22, s25  }
0x1c1: {  	s23 =	sadd.s32 $0x10, s23;
	[tilespmem:s22+$0xD100] =	vst.msk vm0, v6;
	(v2sf) =	vpush v9, $0xF  }
0x1c2: {  	s24 =	sadd.s32 $0xFFFFFFFF, s24;
	v6 =	vld [tilespmem:s23+$0x0]  }
.LBB2_22:
0x1c3: {  	_ =	sdelay $0x3  }
0x1c4: {  	v9 =	vand.u32 $0x7FFF, v6  }
0x1c5: {  	vm0 =	vge.u32 v9, v7;
	vm1 =	vlt.u32 v9, v8  }
0x1c6: {  	vm0 =	vmand vm0, vm1  }
0x1c7: {  	v7 =	vsel vm0, $0x1, v3  }
0x1c8: {  	(xrf0) =	vadd.scan.msk.s32 $0xffff, v7;
	_ =	sdelay $0x5  }
0x1c9: {  	v7, _, _ =	vpop (xrf0)  }
0x1ca: {  	(v2sf) =	vpush v7, $0xF;
	_ =	sdelay $0xc  }
0x1cb: {  	s23 =	spop @p2 (v2sf)  }
0x1cc: {  	s22 =	sadd.s32 @p2 s22, s23  }
0x1cd: {  	s21 =	smov.u32 @p2 s22;
	s31 =	spop (v2sf)  }
0x1ce: {  	[tilespmem:s21+$0xD100] =	vst.msk vm0, v6;
	s22 =	sadd.s32 s21, s31  }
.LBB2_23:
0x1cf: {  	s21 =	sadd.s32 $0xF, s22  }
0x1d0: {  	s23 =	sand.u32 $0xF, s21  }
0x1d1: {  	s31 =	sshra.s32 s21, $0x1F;
	p3 =	slt.s32 s21, $0x1;
	p2 =	sne.s32 s23, $0x0  }
.Ltmp17:
0x1d2: {  	s23 =	sshrl.u32 s31, $0x1C;
	p2 =	por !p3, !p2;
	(pc) =	sbr.rel .LBB2_24-.Ltmp17, $4  }
0x1d3: {  	s21 =	sadd.s32 s23, s21;
	s23 =	simm.s32 $0x1;
	p2 =	por !p2, !p2  }
0x1d4: {  	s21 =	sshra.s32 s21, $0x4;
	s23 =	simm.s32 @!p2 $0x0  }
0x1d5: {  	s21 =	ssub.s32 s21, s23  }
0x1d6: {  	[tilespmem:s22+$0xD100] =	vst v4;
	s22 =	simm.s32 $0x0;
	p4 =	por $0x1, $0x1;
	p2 =	slt.s32 s21, $0x1  }
.LBB2_41:
0x1d7: {  	v8 =	vand.u32 $0x7FFF, v7  }
0x1d8: {  	v7 =	vshrl.u32 v7, $0xF;
	v6 =	vsub.s32 v8, v6  }
0x1d9: {  	v9 =	vand.u32 $0x1FF80, v7;
	v8 =	vshll.u32 v6, $0x7  }
0x1da: {  	vm0 =	vlt.u32 v6, $0xC8;
	v6 =	vand.u32 $0x7F, v7;
	v7 =	vadd.s32 v9, v8  }
0x1db: {  	v6 =	vor.u32 v6, v7;
	_ =	sdelay $0x4  }
0x1dc: {  	[tilespmem:v6+s13+$0x0] =	vst.idx.msk vm0, v5  }
.LBB2_42:
0x1dd: {  	s22 =	sadd.s32 s5, s23  }
.Ltmp18:
0x1de: {  	s22 =	sshll.u32 s22, $0x7;
	(pc) =	sbr.rel @!p3 .LBB2_43-.Ltmp18, $4  }
0x1df: {  	s22 =	sand.u32 $0x1FFFFF80, s22  }
0x1e0: {  	s22 =	sadd.s32 s2, s22  }
0x1e1: {  	[hbm4b:s22+s11] =	stream.strided.scatter [tilespmem:s13], [sflag:$0x2], $0x6400, s12, s11, $0x38;
	[tilespmem:$0x1FD80] =	vst v63  }
0x1e2: {  	p4 =	por $0x0, $0x0;
	s22 =	simm.s32 $0x190  }
.LBB2_24:
.Ltmp19:
0x1e3: {  	(pc) =	sbr.rel @!p4 .LBB2_25-.Ltmp19, $2  }
0x1e4: {  	_ =	sdelay $0x2  }
0x1e5: {  	p3 =	por p4, p4;
	s22 =	sadd.s32 s20, s22  }
.Ltmp20:
0x1e6: {  	(pc) =	sbr.rel @!p2 .LBB2_30-.Ltmp20, $4  }
.Ltmp21:
0x1e7: {  	(pc) =	sbr.rel @p2 .LBB2_33-.Ltmp21, $4  }
0x1e8: {  	_ = 	snop  }
0x1e9: {  	_ = 	snop  }
0x1ea: {  	_ = 	snop  }
0x1eb: {  	_ = 	snop  }
.LBB2_25:
.Ltmp22:
0x1ec: {  	(pc) =	sbr.rel @p2 .LBB2_33-.Ltmp22, $4  }
0x1ed: {  	_ = 	snop  }
0x1ee: {  	_ =	swait.ge [sflag:s9], $0x6400  }
0x1ef: {  	[sflag:s9] =	ssyncset.done $0x0  }
0x1f0: {  	[sflag:s9] =	ssyncadd.s32 $0xFFFF9C00  }
0x1f1: {  	p4 =	seq.s32 s21, $0x1  }
.Ltmp23:
0x1f2: {  	_ = 	snop;
	(pc) =	sbr.rel @p4 .LBB2_28-.Ltmp23, $3  }
0x1f3: {  	_ =	sdelay $0x1  }
0x1f4: {  	s24 =	sadd.s32 $0xFFFFFE70, s22;
	s23 =	simm.s32 $0xD100  }
0x1f5: {  	v6 =	vmov s24;
	v7 =	vld [tilespmem:s23+$0x0];
	s24 =	sadd.s32 $0xFFFFFFFF, s21  }
.LBB2_27:
0x1f6: {  	p4 =	seq.s32 s24, $0x1;
	_ =	sdelay $0x3  }
0x1f7: {  	v8 =	vand.u32 $0x7FFF, v7  }
0x1f8: {  	v7 =	vshrl.u32 v7, $0xF;
	v8 =	vsub.s32 v8, v6  }
0x1f9: {  	v10 =	vand.u32 $0x1FF80, v7;
	v9 =	vshll.u32 v8, $0x7  }
0x1fa: {  	v7 =	vand.u32 $0x7F, v7;
	vm0 =	vlt.u32 v8, $0xC8;
	v8 =	vadd.s32 v10, v9  }
0x1fb: {  	v7 =	vor.u32 v7, v8;
	_ =	sdelay $0x1  }
.Ltmp24:
0x1fc: {  	(pc) =	sbr.rel @!p4 .LBB2_27-.Ltmp24, $3  }
0x1fd: {  	_ =	sdelay $0x1  }
0x1fe: {  	s23 =	sadd.s32 $0x10, s23;
	[tilespmem:v7+s10+$0x0] =	vst.idx.msk vm0, v2  }
0x1ff: {  	s24 =	sadd.s32 $0xFFFFFFFF, s24;
	v7 =	vld [tilespmem:s23+$0x0]  }
.LBB2_28:
0x200: {  	_ =	sdelay $0x3  }
0x201: {  	v8 =	vand.u32 $0x7FFF, v7  }
0x202: {  	v7 =	vshrl.u32 v7, $0xF;
	v6 =	vsub.s32 v8, v6  }
0x203: {  	v9 =	vand.u32 $0x1FF80, v7;
	v8 =	vshll.u32 v6, $0x7  }
0x204: {  	vm0 =	vlt.u32 v6, $0xC8;
	v6 =	vand.u32 $0x7F, v7;
	v7 =	vadd.s32 v9, v8  }
0x205: {  	v6 =	vor.u32 v6, v7;
	_ =	sdelay $0x4  }
0x206: {  	[tilespmem:v6+s10+$0x0] =	vst.idx.msk vm0, v2  }
.LBB2_30:
0x207: {  	p4 =	sne.s32 s21, $0x1  }
.Ltmp25:
0x208: {  	_ = 	snop;
	(pc) =	sbr.rel @!p4 .LBB2_32-.Ltmp25, $3  }
0x209: {  	_ =	sdelay $0x1  }
0x20a: {  	s23 =	simm.s32 $0xD100  }
0x20b: {  	v6 =	vmov s22;
	s24 =	sadd.s32 $0xFFFFFFFF, s21;
	v7 =	vld [tilespmem:s23+$0x0]  }
.LBB2_31:
0x20c: {  	p4 =	sne.s32 s24, $0x1;
	_ =	sdelay $0x3  }
0x20d: {  	v8 =	vand.u32 $0x7FFF, v7  }
0x20e: {  	v7 =	vshrl.u32 v7, $0xF;
	v8 =	vsub.s32 v8, v6  }
0x20f: {  	v10 =	vand.u32 $0x1FF80, v7;
	v9 =	vshll.u32 v8, $0x7  }
0x210: {  	v7 =	vand.u32 $0x7F, v7;
	vm0 =	vlt.u32 v8, $0xC8;
	v8 =	vadd.s32 v10, v9  }
0x211: {  	v7 =	vor.u32 v7, v8;
	_ =	sdelay $0x1  }
.Ltmp26:
0x212: {  	(pc) =	sbr.rel @p4 .LBB2_31-.Ltmp26, $3  }
0x213: {  	_ =	sdelay $0x1  }
0x214: {  	s23 =	sadd.s32 $0x10, s23;
	[tilespmem:v7+s10+$0x0] =	vst.idx.msk vm0, v5  }
0x215: {  	s24 =	sadd.s32 $0xFFFFFFFF, s24;
	v7 =	vld [tilespmem:s23+$0x0]  }
.LBB2_32:
0x216: {  	_ =	sdelay $0x3  }
0x217: {  	v8 =	vand.u32 $0x7FFF, v7  }
0x218: {  	v7 =	vshrl.u32 v7, $0xF;
	v6 =	vsub.s32 v8, v6  }
0x219: {  	v9 =	vand.u32 $0x1FF80, v7;
	v8 =	vshll.u32 v6, $0x7  }
0x21a: {  	vm0 =	vlt.u32 v6, $0xC8;
	v6 =	vand.u32 $0x7F, v7;
	v7 =	vadd.s32 v9, v8  }
0x21b: {  	v6 =	vor.u32 v6, v7;
	_ =	sdelay $0x4  }
0x21c: {  	[tilespmem:v6+s10+$0x0] =	vst.idx.msk vm0, v5  }
.LBB2_33:
0x21d: {  	s23 =	sadd.s32 s5, s22  }
.Ltmp27:
0x21e: {  	s23 =	sshll.u32 s23, $0x7;
	(pc) =	sbr.rel @!p3 .LBB2_34-.Ltmp27, $4  }
0x21f: {  	s23 =	sand.u32 $0x1FFFFF80, s23  }
0x220: {  	s23 =	sadd.s32 s2, s23  }
0x221: {  	[hbm4b:s23+s11] =	stream.strided.scatter [tilespmem:s10], [sflag:$0x1], $0x6400, s12, s11, $0x38;
	[tilespmem:$0x1FD80] =	vst v63  }
0x222: {  	s23 =	sadd.s32 $0xC8, s22  }
.Ltmp28:
0x223: {  	(pc) =	sbr.rel @!p2 .LBB2_39-.Ltmp28, $4  }
.Ltmp29:
0x224: {  	(pc) =	sbr.rel @p2 .LBB2_42-.Ltmp29, $4  }
0x225: {  	_ = 	snop  }
0x226: {  	_ = 	snop  }
0x227: {  	_ = 	snop  }
0x228: {  	_ = 	snop  }
.LBB2_34:
.Ltmp30:
0x229: {  	(pc) =	sbr.rel @p2 .LBB2_42-.Ltmp30, $4  }
0x22a: {  	_ = 	snop  }
0x22b: {  	_ =	swait.ge [sflag:s14], $0x6400  }
0x22c: {  	[sflag:s14] =	ssyncset.done $0x0  }
0x22d: {  	[sflag:s14] =	ssyncadd.s32 $0xFFFF9C00  }
0x22e: {  	p4 =	seq.s32 s21, $0x1  }
.Ltmp31:
0x22f: {  	_ = 	snop;
	(pc) =	sbr.rel @p4 .LBB2_37-.Ltmp31, $3  }
0x230: {  	_ =	sdelay $0x1  }
0x231: {  	s24 =	sadd.s32 $0xFFFFFF38, s22;
	s22 =	simm.s32 $0xD100  }
0x232: {  	v6 =	vmov s24;
	v7 =	vld [tilespmem:s22+$0x0];
	s24 =	sadd.s32 $0xFFFFFFFF, s21  }
.LBB2_36:
0x233: {  	p4 =	seq.s32 s24, $0x1;
	_ =	sdelay $0x3  }
0x234: {  	v8 =	vand.u32 $0x7FFF, v7  }
0x235: {  	v7 =	vshrl.u32 v7, $0xF;
	v8 =	vsub.s32 v8, v6  }
0x236: {  	v10 =	vand.u32 $0x1FF80, v7;
	v9 =	vshll.u32 v8, $0x7  }
0x237: {  	v7 =	vand.u32 $0x7F, v7;
	vm0 =	vlt.u32 v8, $0xC8;
	v8 =	vadd.s32 v10, v9  }
0x238: {  	v7 =	vor.u32 v7, v8;
	_ =	sdelay $0x1  }
.Ltmp32:
0x239: {  	(pc) =	sbr.rel @!p4 .LBB2_36-.Ltmp32, $3  }
0x23a: {  	_ =	sdelay $0x1  }
0x23b: {  	s22 =	sadd.s32 $0x10, s22;
	[tilespmem:v7+s13+$0x0] =	vst.idx.msk vm0, v2  }
0x23c: {  	s24 =	sadd.s32 $0xFFFFFFFF, s24;
	v7 =	vld [tilespmem:s22+$0x0]  }
.LBB2_37:
0x23d: {  	_ =	sdelay $0x3  }
0x23e: {  	v8 =	vand.u32 $0x7FFF, v7  }
0x23f: {  	v7 =	vshrl.u32 v7, $0xF;
	v6 =	vsub.s32 v8, v6  }
0x240: {  	v9 =	vand.u32 $0x1FF80, v7;
	v8 =	vshll.u32 v6, $0x7  }
0x241: {  	vm0 =	vlt.u32 v6, $0xC8;
	v6 =	vand.u32 $0x7F, v7;
	v7 =	vadd.s32 v9, v8  }
0x242: {  	v6 =	vor.u32 v6, v7;
	_ =	sdelay $0x4  }
0x243: {  	[tilespmem:v6+s13+$0x0] =	vst.idx.msk vm0, v2  }
.LBB2_39:
0x244: {  	s22 =	simm.s32 $0xD100;
	p4 =	sne.s32 s21, $0x1  }
.Ltmp33:
0x245: {  	v7 =	vld [tilespmem:s22+$0x0];
	(pc) =	sbr.rel @!p4 .LBB2_41-.Ltmp33, $2  }
0x246: {  	_ =	sdelay $0x2  }
0x247: {  	v6 =	vmov s23;
	s24 =	sadd.s32 $0xFFFFFFFF, s21  }
.LBB2_40:
0x248: {  	p4 =	sne.s32 s24, $0x1;
	_ =	sdelay $0x3  }
0x249: {  	v8 =	vand.u32 $0x7FFF, v7  }
0x24a: {  	v7 =	vshrl.u32 v7, $0xF;
	v8 =	vsub.s32 v8, v6  }
0x24b: {  	v10 =	vand.u32 $0x1FF80, v7;
	v9 =	vshll.u32 v8, $0x7  }
0x24c: {  	v7 =	vand.u32 $0x7F, v7;
	vm0 =	vlt.u32 v8, $0xC8;
	v8 =	vadd.s32 v10, v9  }
0x24d: {  	v7 =	vor.u32 v7, v8;
	_ =	sdelay $0x1  }
.Ltmp34:
0x24e: {  	(pc) =	sbr.rel @p4 .LBB2_40-.Ltmp34, $3  }
0x24f: {  	_ =	sdelay $0x1  }
0x250: {  	s22 =	sadd.s32 $0x10, s22;
	[tilespmem:v7+s13+$0x0] =	vst.idx.msk vm0, v5  }
0x251: {  	s24 =	sadd.s32 $0xFFFFFFFF, s24;
	v7 =	vld [tilespmem:s22+$0x0]  }
.Ltmp35:
0x252: {  	_ = 	snop;
	(pc) =	sbr.rel .LBB2_41-.Ltmp35, $1  }
0x253: {  	_ =	sdelay $0x3  }
.LBB2_43:
.Ltmp36:
0x254: {  	(pc) =	sbr.rel @p2 .LBB2_49-.Ltmp36, $4  }
0x255: {  	_ = 	snop  }
0x256: {  	_ =	swait.ge [sflag:s9], $0x6400  }
0x257: {  	[sflag:s9] =	ssyncset.done $0x0  }
0x258: {  	s22 =	sadd.s32 $0x320, s20;
	[sflag:s9] =	ssyncadd.s32 $0xFFFF9C00  }
0x259: {  	p3 =	seq.s32 s21, $0x1  }
.Ltmp37:
0x25a: {  	_ = 	snop;
	(pc) =	sbr.rel @p3 .LBB2_46-.Ltmp37, $4  }
0x25b: {  	_ = 	snop  }
0x25c: {  	s23 =	sadd.s32 $0x190, s20  }
0x25d: {  	v6 =	vmov s23;
	s23 =	simm.s32 $0xD100  }
0x25e: {  	s24 =	sadd.s32 $0xFFFFFFFF, s21;
	v7 =	vld [tilespmem:s23+$0x0]  }
.LBB2_45:
0x25f: {  	p3 =	seq.s32 s24, $0x1;
	_ =	sdelay $0x3  }
0x260: {  	v8 =	vand.u32 $0x7FFF, v7  }
0x261: {  	v7 =	vshrl.u32 v7, $0xF;
	v8 =	vsub.s32 v8, v6  }
0x262: {  	v10 =	vand.u32 $0x1FF80, v7;
	v9 =	vshll.u32 v8, $0x7  }
0x263: {  	v7 =	vand.u32 $0x7F, v7;
	vm0 =	vlt.u32 v8, $0xC8;
	v8 =	vadd.s32 v10, v9  }
0x264: {  	v7 =	vor.u32 v7, v8;
	_ =	sdelay $0x1  }
.Ltmp38:
0x265: {  	(pc) =	sbr.rel @!p3 .LBB2_45-.Ltmp38, $3  }
0x266: {  	_ =	sdelay $0x1  }
0x267: {  	s23 =	sadd.s32 $0x10, s23;
	[tilespmem:v7+s10+$0x0] =	vst.idx.msk vm0, v2  }
0x268: {  	s24 =	sadd.s32 $0xFFFFFFFF, s24;
	v7 =	vld [tilespmem:s23+$0x0]  }
.LBB2_46:
0x269: {  	_ =	sdelay $0x3  }
0x26a: {  	v8 =	vand.u32 $0x7FFF, v7  }
0x26b: {  	v7 =	vshrl.u32 v7, $0xF;
	v6 =	vsub.s32 v8, v6  }
0x26c: {  	v9 =	vand.u32 $0x1FF80, v7;
	v8 =	vshll.u32 v6, $0x7  }
0x26d: {  	vm0 =	vlt.u32 v6, $0xC8;
	v6 =	vand.u32 $0x7F, v7;
	v7 =	vadd.s32 v9, v8  }
0x26e: {  	v6 =	vor.u32 v6, v7  }
0x26f: {  	p3 =	sne.s32 s21, $0x1  }
.Ltmp39:
0x270: {  	_ = 	snop;
	(pc) =	sbr.rel @!p3 .LBB2_48-.Ltmp39, $3  }
0x271: {  	_ =	sdelay $0x1  }
0x272: {  	s23 =	simm.s32 $0xD100;
	[tilespmem:v6+s10+$0x0] =	vst.idx.msk vm0, v2  }
0x273: {  	s24 =	sadd.s32 $0xFFFFFFFF, s21;
	v6 =	vmov s22;
	v7 =	vld [tilespmem:s23+$0x0]  }
.LBB2_47:
0x274: {  	p3 =	sne.s32 s24, $0x1;
	_ =	sdelay $0x3  }
0x275: {  	v8 =	vand.u32 $0x7FFF, v7  }
0x276: {  	v7 =	vshrl.u32 v7, $0xF;
	v8 =	vsub.s32 v8, v6  }
0x277: {  	v10 =	vand.u32 $0x1FF80, v7;
	v9 =	vshll.u32 v8, $0x7  }
0x278: {  	v7 =	vand.u32 $0x7F, v7;
	vm0 =	vlt.u32 v8, $0xC8;
	v8 =	vadd.s32 v10, v9  }
0x279: {  	v7 =	vor.u32 v7, v8;
	_ =	sdelay $0x1  }
.Ltmp40:
0x27a: {  	(pc) =	sbr.rel @p3 .LBB2_47-.Ltmp40, $3  }
0x27b: {  	_ =	sdelay $0x1  }
0x27c: {  	s23 =	sadd.s32 $0x10, s23;
	[tilespmem:v7+s10+$0x0] =	vst.idx.msk vm0, v5  }
0x27d: {  	s24 =	sadd.s32 $0xFFFFFFFF, s24;
	v7 =	vld [tilespmem:s23+$0x0]  }
.LBB2_48:
0x27e: {  	_ =	sdelay $0x3  }
0x27f: {  	v8 =	vand.u32 $0x7FFF, v7  }
0x280: {  	v7 =	vshrl.u32 v7, $0xF;
	v6 =	vsub.s32 v8, v6  }
0x281: {  	v9 =	vand.u32 $0x1FF80, v7;
	v8 =	vshll.u32 v6, $0x7  }
0x282: {  	vm0 =	vlt.u32 v6, $0xC8;
	v6 =	vand.u32 $0x7F, v7;
	v7 =	vadd.s32 v9, v8  }
0x283: {  	v6 =	vor.u32 v6, v7;
	_ =	sdelay $0x4  }
0x284: {  	[tilespmem:v6+s10+$0x0] =	vst.idx.msk vm0, v5  }
.LBB2_49:
0x285: {  	s23 =	sadd.s32 s5, s22  }
0x286: {  	s23 =	sshll.u32 s23, $0x7  }
0x287: {  	s23 =	sand.u32 $0x1FFFFF80, s23  }
.Ltmp41:
0x288: {  	s23 =	sadd.s32 s2, s23;
	(pc) =	sbr.rel @p2 .LBB2_59-.Ltmp41, $4  }
0x289: {  	[hbm4b:s23+s11] =	stream.strided.scatter [tilespmem:s10], [sflag:$0x1], $0x6400, s12, s11, $0x38;
	[tilespmem:$0x1FD80] =	vst v63  }
0x28a: {  	_ =	swait.ge [sflag:s14], $0x6400  }
0x28b: {  	[sflag:s14] =	ssyncset.done $0x0  }
0x28c: {  	[sflag:s14] =	ssyncadd.s32 $0xFFFF9C00  }
0x28d: {  	p2 =	seq.s32 s21, $0x1  }
.Ltmp42:
0x28e: {  	_ = 	snop;
	(pc) =	sbr.rel @p2 .LBB2_52-.Ltmp42, $3  }
0x28f: {  	_ =	sdelay $0x1  }
0x290: {  	s23 =	sadd.s32 $0x258, s20;
	s20 =	simm.s32 $0xD100  }
0x291: {  	v6 =	vmov s23;
	v7 =	vld [tilespmem:s20+$0x0];
	s23 =	sadd.s32 $0xFFFFFFFF, s21  }
.LBB2_51:
0x292: {  	p2 =	seq.s32 s23, $0x1;
	_ =	sdelay $0x3  }
0x293: {  	v8 =	vand.u32 $0x7FFF, v7  }
0x294: {  	v7 =	vshrl.u32 v7, $0xF;
	v8 =	vsub.s32 v8, v6  }
0x295: {  	v10 =	vand.u32 $0x1FF80, v7;
	v9 =	vshll.u32 v8, $0x7  }
0x296: {  	v7 =	vand.u32 $0x7F, v7;
	vm0 =	vlt.u32 v8, $0xC8;
	v8 =	vadd.s32 v10, v9  }
0x297: {  	v7 =	vor.u32 v7, v8;
	_ =	sdelay $0x1  }
.Ltmp43:
0x298: {  	(pc) =	sbr.rel @!p2 .LBB2_51-.Ltmp43, $3  }
0x299: {  	_ =	sdelay $0x1  }
0x29a: {  	s20 =	sadd.s32 $0x10, s20;
	[tilespmem:v7+s13+$0x0] =	vst.idx.msk vm0, v2  }
0x29b: {  	s23 =	sadd.s32 $0xFFFFFFFF, s23;
	v7 =	vld [tilespmem:s20+$0x0]  }
.LBB2_52:
0x29c: {  	_ =	sdelay $0x3  }
0x29d: {  	v8 =	vand.u32 $0x7FFF, v7  }
0x29e: {  	v7 =	vshrl.u32 v7, $0xF;
	v6 =	vsub.s32 v8, v6  }
0x29f: {  	v9 =	vand.u32 $0x1FF80, v7;
	v8 =	vshll.u32 v6, $0x7  }
0x2a0: {  	vm0 =	vlt.u32 v6, $0xC8;
	v6 =	vand.u32 $0x7F, v7;
	v7 =	vadd.s32 v9, v8  }
0x2a1: {  	v6 =	vor.u32 v6, v7;
	_ =	sdelay $0x3  }
0x2a2: {  	p2 =	sne.s32 s21, $0x1  }
.Ltmp44:
0x2a3: {  	[tilespmem:v6+s13+$0x0] =	vst.idx.msk vm0, v2;
	(pc) =	sbr.rel @!p2 .LBB2_54-.Ltmp44, $4  }
0x2a4: {  	_ =	swait.ge [sflag:s9], $0x6400  }
0x2a5: {  	[sflag:s9] =	ssyncset.done $0x0  }
0x2a6: {  	s20 =	simm.s32 $0xD100;
	[sflag:s9] =	ssyncadd.s32 $0xFFFF9C00  }
0x2a7: {  	s21 =	sadd.s32 $0xFFFFFFFF, s21;
	v6 =	vmov s22;
	v7 =	vld [tilespmem:s20+$0x0]  }
.LBB2_53:
0x2a8: {  	p2 =	sne.s32 s21, $0x1;
	_ =	sdelay $0x3  }
0x2a9: {  	v8 =	vand.u32 $0x7FFF, v7  }
0x2aa: {  	v7 =	vshrl.u32 v7, $0xF;
	v8 =	vsub.s32 v8, v6  }
0x2ab: {  	v10 =	vand.u32 $0x1FF80, v7;
	v9 =	vshll.u32 v8, $0x7  }
0x2ac: {  	v7 =	vand.u32 $0x7F, v7;
	vm0 =	vlt.u32 v8, $0xC8;
	v8 =	vadd.s32 v10, v9  }
0x2ad: {  	v7 =	vor.u32 v7, v8;
	_ =	sdelay $0x1  }
.Ltmp45:
0x2ae: {  	(pc) =	sbr.rel @p2 .LBB2_53-.Ltmp45, $3  }
0x2af: {  	_ =	sdelay $0x1  }
0x2b0: {  	s20 =	sadd.s32 $0x10, s20;
	[tilespmem:v7+s10+$0x0] =	vst.idx.msk vm0, v2  }
0x2b1: {  	s21 =	sadd.s32 $0xFFFFFFFF, s21;
	v7 =	vld [tilespmem:s20+$0x0]  }
.LBB2_54:
0x2b2: {  	_ =	sdelay $0x3  }
0x2b3: {  	v8 =	vand.u32 $0x7FFF, v7  }
0x2b4: {  	v7 =	vshrl.u32 v7, $0xF;
	v6 =	vsub.s32 v8, v6  }
0x2b5: {  	v9 =	vand.u32 $0x1FF80, v7;
	v8 =	vshll.u32 v6, $0x7  }
0x2b6: {  	vm0 =	vlt.u32 v6, $0xC8;
	v6 =	vand.u32 $0x7F, v7;
	v7 =	vadd.s32 v9, v8  }
0x2b7: {  	v6 =	vor.u32 v6, v7  }
.Ltmp46:
0x2b8: {  	_ = 	snop;
	(pc) =	sbr.rel .LBB2_55-.Ltmp46, $2  }
0x2b9: {  	_ =	sdelay $0x2  }
0x2ba: {  	[tilespmem:v6+s10+$0x0] =	vst.idx.msk vm0, v2  }
.LBB2_18:
.Ltmp47:
0x2bb: {  	(pc) =	sbr.rel .LBB2_22-.Ltmp47, $2  }
0x2bc: {  	_ =	sdelay $0x2  }
0x2bd: {  	s22 =	simm.s32 $0x0  }
.LBB2_20:
.Ltmp48:
0x2be: {  	(pc) =	sbr.rel .LBB2_22-.Ltmp48, $2  }
0x2bf: {  	_ =	sdelay $0x2  }
0x2c0: {  	s22 =	simm.s32 $0x0  }
.LBB2_10:
.Ltmp49:
0x2c1: {  	(pc) =	sbr.rel .LBB2_14-.Ltmp49, $2  }
0x2c2: {  	_ =	sdelay $0x2  }
0x2c3: {  	s19 =	simm.s32 $0x0  }
.LBB2_12:
.Ltmp50:
0x2c4: {  	(pc) =	sbr.rel .LBB2_14-.Ltmp50, $2  }
0x2c5: {  	_ =	sdelay $0x2  }
0x2c6: {  	s19 =	simm.s32 $0x0  }
.LBB2_58:
0x2c7: {  	_ =	sfence.sel $0x180000  }
0x2c8: {  	[bflag:$0x0] =	sbarrier.arrive $0xFFFF  }
0x2c9: {  	p0 =	sne.s32 s1, $0x0;
	_ =	strace $0x90000047  }
0x2ca: {  	s0 =	sadd.s32 @!p0 $0x100000, s0;
	[bflag:$0x2] =	sbarrier.arrive $0xFFFF  }
0x2cb: {  	[sflag:s0] =	ssyncadd.tile.s32 @!p0 $0x1;
	_ =	shalt  }
.Lfunc_end2:
_tile_overlayer_lowered:
.L_overlay_start_2:
0x2cc: {  	(tag) =	ssettag $0x2  }
0x2cd: {  	s0 =	rddreg [dreg:$0x0];
	s2 =	stileid.u32  }
0x2ce: {  	s1 =	rddreg [dreg:$0x1];
	p0 =	sne.s32 s2, $0x0  }
0x2cf: {  	s3 =	rddreg [dreg:$0x2];
	[bflag:$0x3] =	sbarrier.arrive $0xFFFF;
	s2 =	simm.s32 @!p0 $0x1C03  }
0x2d0: {  	[timem:s3], [sflag:s2] =	dma.local @!p0 [hbm:s0], s1  }
0x2d1: {  	s0 =	simm.s32 @!p0 $0x3  }
0x2d2: {  	_ =	swait.ge @!p0 [sflag:s0], s1  }
0x2d3: {  	s1 =	ssub.s32 @!p0 $0x0, s1;
	[sflag:s0] =	ssyncset.done @!p0 $0x0  }
0x2d4: {  	[sflag:s0] =	ssyncadd.s32 @!p0 s1  }
0x2d5: {  	[bflag:$0x3] =	sbarrier.arrive $0xFFFF  }
0x2d6: {  	_ =	shalt  }

</sc_bundles>
